<compile_context>
chip_gen: v7x
topology: tpu7x:2x2x1
jax: 0.10.2.dev20260603
libtpu: 0.0.44.dev20260713+nightly
codegen_flags: <defaults>
</compile_context>

<pallas_src>
import functools

import jax
import jax.numpy as jnp
from jax import lax
from jax.experimental import pallas as pl
from jax.experimental.pallas import tpu as pltpu
from jax.experimental.pallas import tpu_sc as plsc

N0, N1, N2 = 10000, 4096, 1024
E0, E1 = 320000, 32768
D = 128

NC, NS = 2, 16
NW = NC * NS


def _make_edge_agg(n_edges, n_dst, chunk=128):
    cpt = n_edges // (chunk * NW)
    nrem = (n_edges - cpt * chunk * NW) // chunk
    assert n_edges == (cpt * NW + nrem) * chunk
    assert nrem <= NW and chunk % 8 == 0 and chunk <= 128
    zr = n_dst // NS
    mesh = plsc.VectorSubcoreMesh(core_axis_name="c", subcore_axis_name="s")

    @functools.partial(
        pl.kernel,
        out_type=jax.ShapeDtypeStruct((NC, n_dst, D), jnp.float32),
        mesh=mesh,
        scratch_types=[
            pltpu.VMEM((2, chunk), jnp.int32),
            pltpu.VMEM((2, chunk), jnp.int32),
            pltpu.VMEM((chunk, D), jnp.float32),
            pltpu.VMEM((chunk, D), jnp.float32),
            pltpu.VMEM_SHARED((n_dst, D), jnp.float32),
            pltpu.SemaphoreType.DMA,
            pltpu.SemaphoreType.DMA,
            pltpu.SemaphoreType.DMA,
            pltpu.SemaphoreType.DMA,
        ],
    )
    def edge_agg(m_hbm, e_hbm, zagg_hbm, agg_out,
                 ev0, ev1, buf0, buf1, agg_sh, gsem0, gsem1, asem0, asem1):
        cid = lax.axis_index("c")
        sid = lax.axis_index("s")
        wid = cid * NS + sid

        pltpu.sync_copy(zagg_hbm, agg_sh.at[pl.ds(sid * zr, zr)])
        plsc.subcore_barrier()

        base = wid * (cpt * chunk)

        def start(off, ev, bf, gsem):
            pltpu.sync_copy(e_hbm.at[:, pl.ds(off, chunk)], ev)
            pltpu.async_copy(m_hbm.at[ev.at[0]], bf, gsem)

        def finish_gather(ev, bf, gsem, asem):
            pltpu.make_async_copy(m_hbm.at[ev.at[0]], bf, gsem).wait()
            pltpu.async_copy(bf, agg_sh.at[ev.at[1]], asem, add=True)

        def drain(ev, bf, asem):
            pltpu.make_async_copy(bf, agg_sh.at[ev.at[1]], asem).wait()

        start(base, ev0, buf0, gsem0)

        @pl.loop(0, (cpt + 1) // 2)
        def _(i):
            c = 2 * i

            @pl.when(c + 1 < cpt)
            def _():
                start(base + (c + 1) * chunk, ev1, buf1, gsem1)

            finish_gather(ev0, buf0, gsem0, asem0)

            @pl.when(c + 1 < cpt)
            def _():
                finish_gather(ev1, buf1, gsem1, asem1)

            drain(ev0, buf0, asem0)

            @pl.when(c + 2 < cpt)
            def _():
                start(base + (c + 2) * chunk, ev0, buf0, gsem0)

            @pl.when(c + 1 < cpt)
            def _():
                drain(ev1, buf1, asem1)

        if nrem:
            @pl.when(wid < nrem)
            def _():
                off = cpt * chunk * NW + wid * chunk
                start(off, ev0, buf0, gsem0)
                finish_gather(ev0, buf0, gsem0, asem0)
                drain(ev0, buf0, asem0)

        plsc.subcore_barrier()
        pltpu.sync_copy(agg_sh.at[pl.ds(sid * zr, zr)],
                        agg_out.at[cid, pl.ds(sid * zr, zr)])

    return edge_agg


def _make_hist(n_edges, n_dst, eb):
    nh = n_dst // 128
    nblk = n_edges // eb
    assert n_edges == nblk * eb

    def body(d_ref, out_ref):
        i = pl.program_id(0)
        d = d_ref[...][0]
        hi = lax.shift_right_logical(d, 7)
        lo = lax.bitwise_and(d, 127)
        hiota = lax.broadcasted_iota(jnp.int32, (nh, eb), 0)
        liota = lax.broadcasted_iota(jnp.int32, (128, eb), 0)
        a = (hiota == hi).astype(jnp.bfloat16)
        b = (liota == lo).astype(jnp.bfloat16)
        blk = jax.lax.dot_general(a, b, (((1,), (1,)), ((), ())),
                                  preferred_element_type=jnp.float32)

        @pl.when(i == 0)
        def _():
            out_ref[...] = blk

        @pl.when(i > 0)
        def _():
            out_ref[...] += blk

    def hist(dst):
        d3 = dst.reshape(nblk, 1, eb)
        return pl.pallas_call(
            body,
            grid=(nblk,),
            in_specs=[pl.BlockSpec((1, 1, eb), lambda i: (i, 0, 0))],
            out_specs=pl.BlockSpec((nh, 128), lambda i: (0, 0)),
            out_shape=jax.ShapeDtypeStruct((nh, 128), jnp.float32),
        )(d3)

    return hist


def _dot(a, b):
    return jnp.dot(a, b, preferred_element_type=jnp.float32,
                   precision=lax.Precision.HIGHEST)


def _stage_m1_body(x_ref, wp_ref, bp_ref, wq_ref, bq_ref, m_ref):
    w2 = _dot(wp_ref[...], wq_ref[...])
    b2 = _dot(bp_ref[...], wq_ref[...]) + bq_ref[...]
    m_ref[...] = jnp.maximum(_dot(x_ref[...], w2) + b2, 0.0)


def _stage_m1(x, W_proj, b_proj, Wq1, bq1):
    n = x.shape[0]
    blk = 1000
    grid = n // blk
    full = lambda i: (0, 0)
    return pl.pallas_call(
        _stage_m1_body,
        grid=(grid,),
        in_specs=[
            pl.BlockSpec((blk, D), lambda i: (i, 0)),
            pl.BlockSpec((D, D), full),
            pl.BlockSpec((1, D), full),
            pl.BlockSpec((D, D), full),
            pl.BlockSpec((1, D), full),
        ],
        out_specs=pl.BlockSpec((blk, D), lambda i: (i, 0)),
        out_shape=jax.ShapeDtypeStruct((n, D), jnp.float32),
    )(x, W_proj, b_proj.reshape(1, D), Wq1, bq1.reshape(1, D))


def _stage_h_body(x_ref, wp_ref, bp_ref, h_ref):
    h_ref[...] = _dot(x_ref[...], wp_ref[...]) + bp_ref[...]


def _stage_h(x4096, W_proj, b_proj):
    blk = 512
    grid = N1 // blk
    full = lambda i: (0, 0)
    return pl.pallas_call(
        _stage_h_body,
        grid=(grid,),
        in_specs=[
            pl.BlockSpec((blk, D), lambda i: (i, 0)),
            pl.BlockSpec((D, D), full),
            pl.BlockSpec((1, D), full),
        ],
        out_specs=pl.BlockSpec((blk, D), lambda i: (i, 0)),
        out_shape=jax.ShapeDtypeStruct((N1, D), jnp.float32),
    )(x4096, W_proj, b_proj.reshape(1, D))


def _mean_from_parts(agg_ref, cnt_ref):
    p = agg_ref[...]
    cnt = cnt_ref[...][0, 0]
    return (p[0] + p[1]) / jnp.maximum(cnt, 1.0)[:, None]


def _l2norm(z):
    zn = jnp.sqrt(jnp.sum(z * z, axis=1, keepdims=True))
    return z / jnp.maximum(zn, 1e-12)


def _stage_c_body(h_ref, agg_ref, cnt_ref, wa_ref, wb_ref, bw_ref,
                  wq_ref, bq_ref, h1_ref, m2_ref):
    mean = _mean_from_parts(agg_ref, cnt_ref)
    z = _dot(h_ref[...], wa_ref[...]) + _dot(mean, wb_ref[...]) + bw_ref[...]
    h1 = _l2norm(jnp.maximum(z, 0.0))
    h1_ref[...] = h1
    m2_ref[...] = jnp.maximum(_dot(h1, wq_ref[...]) + bq_ref[...], 0.0)


def _stage_c(h4096, agg_parts, cnt_parts, Ww1, bw1, Wq2, bq2):
    blk = 512
    grid = N1 // blk
    full = lambda i: (0, 0)
    return pl.pallas_call(
        _stage_c_body,
        grid=(grid,),
        in_specs=[
            pl.BlockSpec((blk, D), lambda i: (i, 0)),
            pl.BlockSpec((NC, blk, D), lambda i: (0, i, 0)),
            pl.BlockSpec((1, 1, blk), lambda i: (i, 0, 0)),
            pl.BlockSpec((D, D), full),
            pl.BlockSpec((D, D), full),
            pl.BlockSpec((1, D), full),
            pl.BlockSpec((D, D), full),
            pl.BlockSpec((1, D), full),
        ],
        out_specs=[
            pl.BlockSpec((blk, D), lambda i: (i, 0)),
            pl.BlockSpec((blk, D), lambda i: (i, 0)),
        ],
        out_shape=[
            jax.ShapeDtypeStruct((N1, D), jnp.float32),
            jax.ShapeDtypeStruct((N1, D), jnp.float32),
        ],
    )(h4096, agg_parts, cnt_parts, Ww1[:D], Ww1[D:], bw1.reshape(1, D),
      Wq2, bq2.reshape(1, D))


def _stage_d_body(h_ref, h1_ref, agg_ref, cnt_ref, wa_ref, wb_ref, bw_ref,
                  out_ref):
    mean = _mean_from_parts(agg_ref, cnt_ref)
    z = _dot(h1_ref[...], wa_ref[...]) + _dot(mean, wb_ref[...]) + bw_ref[...]
    out_ref[...] = h_ref[...] + _l2norm(jnp.maximum(z, 0.0))


def _stage_d(h1024, h1_1024, agg_parts, cnt_parts, Ww2, bw2):
    blk = 512
    grid = N2 // blk
    full = lambda i: (0, 0)
    return pl.pallas_call(
        _stage_d_body,
        grid=(grid,),
        in_specs=[
            pl.BlockSpec((blk, D), lambda i: (i, 0)),
            pl.BlockSpec((blk, D), lambda i: (i, 0)),
            pl.BlockSpec((NC, blk, D), lambda i: (0, i, 0)),
            pl.BlockSpec((1, 1, blk), lambda i: (i, 0, 0)),
            pl.BlockSpec((D, D), full),
            pl.BlockSpec((D, D), full),
            pl.BlockSpec((1, D), full),
        ],
        out_specs=pl.BlockSpec((blk, D), lambda i: (i, 0)),
        out_shape=jax.ShapeDtypeStruct((N2, D), jnp.float32),
    )(h1024, h1_1024, agg_parts, cnt_parts, Ww2[:D], Ww2[D:],
      bw2.reshape(1, D))


_edge_agg0 = _make_edge_agg(E0, N1)
_edge_agg1 = _make_edge_agg(E1, N2)
_hist0 = _make_hist(E0, N1, 20000)
_hist1 = _make_hist(E1, N2, 8192)


def kernel(x, edge0_src, edge0_dst, edge1_src, edge1_dst,
           W_proj, b_proj, Wq1, bq1, Ww1, bw1, Wq2, bq2, Ww2, bw2):
    m1 = _stage_m1(x, W_proj, b_proj, Wq1, bq1)
    zagg0 = jnp.zeros((N1 // NS, D), jnp.float32)
    e0 = jnp.stack([edge0_src, edge0_dst])
    agg1 = _edge_agg0(m1, e0, zagg0)
    h = _stage_h(x[:N1], W_proj, b_proj)
    cnt1 = _hist0(edge0_dst).reshape(N1 // 512, 1, 512)
    h1, m2 = _stage_c(h, agg1, cnt1, Ww1, bw1, Wq2, bq2)
    zagg1 = jnp.zeros((N2 // NS, D), jnp.float32)
    e1 = jnp.stack([edge1_src, edge1_dst])
    agg2 = _edge_agg1(m2, e1, zagg1)
    cnt2 = _hist1(edge1_dst).reshape(N2 // 512, 1, 512)
    return _stage_d(h[:N2], h1[:N2], agg2, cnt2, Ww2, bw2)

# --- scband reference (transcript-rebuilt; emitter-appended) ---
"""Pipeline reference for scband-pin-sagemodel-7078106104096 (READ-ONLY COPY).

The authoritative reference and input builder live on the scoring server;
editing this copy changes nothing except your own understanding.
"""

import jax, jax.numpy as jnp
import numpy as np

N0, N1, N2 = 10000, 4096, 1024
E0, E1 = 320000, 32768
D = 128


def setup_inputs(seed: int = 0) -> dict:
    key = jax.random.key(seed)
    ks = jax.random.split(key, 16)
    inp = {}
    inp["x"] = jax.random.normal(ks[0], (N0, D), dtype=jnp.float32)
    inp["edge0_src"] = jax.random.randint(ks[1], (E0,), 0, N0)
    inp["edge0_dst"] = jax.random.randint(ks[2], (E0,), 0, N1)
    inp["edge1_src"] = jax.random.randint(ks[3], (E1,), 0, N1)
    inp["edge1_dst"] = jax.random.randint(ks[4], (E1,), 0, N2)
    s = 1.0 / np.sqrt(D)
    inp["W_proj"] = jax.random.normal(ks[5], (D, D), dtype=jnp.float32) * s
    inp["b_proj"] = jnp.zeros((D,), dtype=jnp.float32)
    inp["Wq1"] = jax.random.normal(ks[6], (D, D), dtype=jnp.float32) * s
    inp["bq1"] = jnp.zeros((D,), dtype=jnp.float32)
    inp["Ww1"] = jax.random.normal(ks[7], (2 * D, D), dtype=jnp.float32) * (1.0 / np.sqrt(2 * D))
    inp["bw1"] = jnp.zeros((D,), dtype=jnp.float32)
    inp["Wq2"] = jax.random.normal(ks[8], (D, D), dtype=jnp.float32) * s
    inp["bq2"] = jnp.zeros((D,), dtype=jnp.float32)
    inp["Ww2"] = jax.random.normal(ks[9], (2 * D, D), dtype=jnp.float32) * (1.0 / np.sqrt(2 * D))
    inp["bw2"] = jnp.zeros((D,), dtype=jnp.float32)
    return inp


def _sage_conv(h_src, src, dst, n_dst, Wq, bq, Ww, bw):
    # PinSAGE-style SAGEConv: project+relu on src, mean-aggregate over edges,
    # concat with dst self features, linear + relu, l2-normalize.
    m = jax.nn.relu(h_src @ Wq + bq)
    agg = jax.ops.segment_sum(m[src], dst, num_segments=n_dst)
    cnt = jax.ops.segment_sum(jnp.ones((src.shape[0],), dtype=h_src.dtype), dst, num_segments=n_dst)
    mean = agg / jnp.maximum(cnt, 1.0)[:, None]
    # DGL block convention: dst nodes are a prefix of src nodes
    z = jax.nn.relu(jnp.concatenate([h_src[:n_dst], mean], axis=1) @ Ww + bw)
    zn = jnp.linalg.norm(z, axis=1, keepdims=True)
    return z / jnp.maximum(zn, 1e-12)


def reference(x, edge0_src, edge0_dst, edge1_src, edge1_dst,
              W_proj, b_proj, Wq1, bq1, Ww1, bw1, Wq2, bq2, Ww2, bw2):
    # proj(blocks[0].srcdata)
    h = x @ W_proj + b_proj
    # SAGENet over 2 blocks
    h1 = _sage_conv(h, edge0_src, edge0_dst, N1, Wq1, bq1, Ww1, bw1)
    h2 = _sage_conv(h1, edge1_src, edge1_dst, N2, Wq2, bq2, Ww2, bw2)
    # proj(blocks[-1].dstdata) skip connection; dst nodes are prefix of src nodes
    h_dst = x[:N2] @ W_proj + b_proj
    return h_dst + h2

if __name__ == "__main__":
    import jax
    _d = setup_inputs()
    print(jax.jit(kernel)(*tuple(_d.values())))

</pallas_src>

<mosaic_0001>
#map = affine_map<(d0, d1) -> (0, 0)>
#map1 = affine_map<(d0, d1) -> (0, 0, 0)>
module attributes {stable_mosaic.version = 14 : i64} {
  func.func @edge_agg(%arg0: i32, %arg1: i32, %arg2: memref<10000x128xf32, #tpu.memory_space<hbm>>, %arg3: memref<2x320000xi32, #tpu.memory_space<hbm>>, %arg4: memref<256x128xf32, #tpu.memory_space<hbm>>, %arg5: memref<2x4096x128xf32, #tpu.memory_space<hbm>>, %arg6: memref<2x128xi32, #tpu.memory_space<vmem>>, %arg7: memref<2x128xi32, #tpu.memory_space<vmem>>, %arg8: memref<128x128xf32, #tpu.memory_space<vmem>>, %arg9: memref<128x128xf32, #tpu.memory_space<vmem>>, %arg10: memref<4096x128xf32, #tpu.memory_space<vmem_shared>>, %arg11: memref<!tpu.dma_semaphore, #tpu.memory_space<semaphore_mem>>, %arg12: memref<!tpu.dma_semaphore, #tpu.memory_space<semaphore_mem>>, %arg13: memref<!tpu.dma_semaphore, #tpu.memory_space<semaphore_mem>>, %arg14: memref<!tpu.dma_semaphore, #tpu.memory_space<semaphore_mem>>) attributes {dimension_semantics = [#tpu.dimension_semantics<core_parallel>, #tpu.dimension_semantics<subcore_parallel>], iteration_bounds = array<i64: 2, 16>, scalar_prefetch = 0 : i64, scratch_operands = 9 : i64, tpu.core_type = #tpu.core_type<sc_vector_subcore>, window_params = [{transform_indices = #map}, {transform_indices = #map}, {transform_indices = #map}, {transform_indices = #map1}]} {
    %mul3A = arith.constant 16 : i32
    %mul3A_0 = arith.muli %arg0, %mul3A : i32
    %add3A = arith.addi %mul3A_0, %arg1 : i32
    %mul3A_1 = arith.constant 256 : i32
    %mul3A_2 = arith.muli %arg1, %mul3A_1 : i32
    "tpu.region"() ({
      %run_scoped3A = tpu.sem_alloc : memref<!tpu.dma_semaphore, #tpu.memory_space<semaphore_mem>>
      %dma_start3A_22 = arith.constant 0 : i32
      %dma_start3A_23 = tpu.memref_slice %arg10[%mul3A_2, %dma_start3A_22] : memref<4096x128xf32, #tpu.memory_space<vmem_shared>> -> memref<256x128xf32, #tpu.memory_space<vmem_shared>>
      tpu.enqueue_dma source(%arg4 : memref<256x128xf32, #tpu.memory_space<hbm>>) target(%dma_start3A_23 : memref<256x128xf32, #tpu.memory_space<vmem_shared>>) target_semaphore(%run_scoped3A : memref<!tpu.dma_semaphore, #tpu.memory_space<semaphore_mem>>)
      %dma_wait3A = arith.constant 0 : i32
      %dma_wait3A_24 = tpu.memref_slice %arg10[%mul3A_2, %dma_wait3A] : memref<4096x128xf32, #tpu.memory_space<vmem_shared>> -> memref<256x128xf32, #tpu.memory_space<vmem_shared>>
      tpu.wait_dma2 semaphore(%run_scoped3A : memref<!tpu.dma_semaphore, #tpu.memory_space<semaphore_mem>>) src(%arg4 : memref<256x128xf32, #tpu.memory_space<hbm>>) dst(%dma_wait3A_24 : memref<256x128xf32, #tpu.memory_space<vmem_shared>>)
      tpu.yield
    }) : () -> ()
    %barrier3A = arith.constant 0 : index
    tpu.barrier barrier_id(%barrier3A)
    %mul3A_3 = arith.constant 9984 : i32
    %mul3A_4 = arith.muli %add3A, %mul3A_3 : i32
    "tpu.region"() ({
      %run_scoped3A = tpu.sem_alloc : memref<!tpu.dma_semaphore, #tpu.memory_space<semaphore_mem>>
      %dma_start3A_22 = arith.constant 0 : i32
      %dma_start3A_23 = tpu.memref_slice %arg3[%dma_start3A_22, %mul3A_4] : memref<2x320000xi32, #tpu.memory_space<hbm>> -> memref<2x128xi32, #tpu.memory_space<hbm>>
      %dma_start3A_24 = arith.constant 0 : i32
      %dma_start3A_25 = tpu.memref_slice %arg3[%dma_start3A_24, %mul3A_4] : memref<2x320000xi32, #tpu.memory_space<hbm>> -> memref<2x128xi32, #tpu.memory_space<hbm>>
      tpu.enqueue_dma source(%dma_start3A_25 : memref<2x128xi32, #tpu.memory_space<hbm>>) target(%arg6 : memref<2x128xi32, #tpu.memory_space<vmem>>) target_semaphore(%run_scoped3A : memref<!tpu.dma_semaphore, #tpu.memory_space<semaphore_mem>>)
      %dma_wait3A = arith.constant 0 : i32
      %dma_wait3A_26 = tpu.memref_slice %arg3[%dma_wait3A, %mul3A_4] : memref<2x320000xi32, #tpu.memory_space<hbm>> -> memref<2x128xi32, #tpu.memory_space<hbm>>
      %dma_wait3A_27 = arith.constant 0 : i32
      %dma_wait3A_28 = tpu.memref_slice %arg3[%dma_wait3A_27, %mul3A_4] : memref<2x320000xi32, #tpu.memory_space<hbm>> -> memref<2x128xi32, #tpu.memory_space<hbm>>
      tpu.wait_dma2 semaphore(%run_scoped3A : memref<!tpu.dma_semaphore, #tpu.memory_space<semaphore_mem>>) src(%dma_wait3A_28 : memref<2x128xi32, #tpu.memory_space<hbm>>) dst(%arg6 : memref<2x128xi32, #tpu.memory_space<vmem>>)
      tpu.yield
    }) : () -> ()
    %dma_start3A = arith.constant 0 : i32
    %dma_start3A_5 = arith.constant 0 : i32
    %dma_start3A_6 = tpu.memref_slice %arg6[%dma_start3A, %dma_start3A_5] : memref<2x128xi32, #tpu.memory_space<vmem>> -> memref<1x128xi32, #tpu.memory_space<vmem>>
    %dma_start3A_7 = tpu.memref_squeeze %dma_start3A_6 : memref<1x128xi32, #tpu.memory_space<vmem>> -> memref<128xi32, #tpu.memory_space<vmem>>
    %dma_start3A_8 = arith.constant 0 : i32
    %dma_start3A_9 = arith.constant 0 : i32
    %dma_start3A_10 = tpu.memref_slice %arg2[%dma_start3A_8, %dma_start3A_9] : memref<10000x128xf32, #tpu.memory_space<hbm>> -> memref<10000x128xf32, #tpu.memory_space<hbm>>
    tpu.enqueue_indirect_dma source(%dma_start3A_10 : memref<10000x128xf32, #tpu.memory_space<hbm>>) target(%arg8 : memref<128x128xf32, #tpu.memory_space<vmem>>) offsets(%dma_start3A_7 : memref<128xi32, #tpu.memory_space<vmem>>) semaphore(%arg11 : memref<!tpu.dma_semaphore, #tpu.memory_space<semaphore_mem>>)
    %scan3A = arith.constant 0 : i32
    %scan3A_11 = arith.constant 39 : i32
    %scan3A_12 = arith.addi %scan3A, %scan3A_11 : i32
    %scan3A_13 = arith.constant 1 : i32
    scf.for %scan3A_22 = %scan3A to %scan3A_12 step %scan3A_13  : i32 {
      %mul3A_23 = arith.constant 1 : i32
      %mul3A_24 = arith.muli %scan3A_22, %mul3A_23 : i32
      %add3A_25 = arith.constant 0 : i32
      %add3A_26 = arith.addi %add3A_25, %mul3A_24 : i32
      %mul3A_27 = arith.constant 2 : i32
      %mul3A_28 = arith.muli %mul3A_27, %add3A_26 : i32
      %add3A_29 = arith.constant 1 : i32
      %add3A_30 = arith.addi %mul3A_28, %add3A_29 : i32
      %lt3A_31 = arith.constant 78 : i32
      %lt3A_32 = arith.cmpi slt, %add3A_30, %lt3A_31 : i32
      %convert_element_type3A_33 = arith.extui %lt3A_32 : i1 to i32
      %cond3A_34 = arith.constant 0 : i32
      %cond3A_35 = arith.cmpi ne, %convert_element_type3A_33, %cond3A_34 : i32
      scf.if %cond3A_35 {
        %add3A_77 = arith.constant 1 : i32
        %add3A_78 = arith.addi %mul3A_28, %add3A_77 : i32
        %mul3A_79 = arith.constant 128 : i32
        %mul3A_80 = arith.muli %add3A_78, %mul3A_79 : i32
        %add3A_81 = arith.addi %mul3A_4, %mul3A_80 : i32
        "tpu.region"() ({
          %run_scoped3A = tpu.sem_alloc : memref<!tpu.dma_semaphore, #tpu.memory_space<semaphore_mem>>
          %dma_start3A_89 = arith.constant 0 : i32
          %dma_start3A_90 = tpu.memref_slice %arg3[%dma_start3A_89, %add3A_81] : memref<2x320000xi32, #tpu.memory_space<hbm>> -> memref<2x128xi32, #tpu.memory_space<hbm>>
          %dma_start3A_91 = arith.constant 0 : i32
          %dma_start3A_92 = tpu.memref_slice %arg3[%dma_start3A_91, %add3A_81] : memref<2x320000xi32, #tpu.memory_space<hbm>> -> memref<2x128xi32, #tpu.memory_space<hbm>>
          tpu.enqueue_dma source(%dma_start3A_92 : memref<2x128xi32, #tpu.memory_space<hbm>>) target(%arg7 : memref<2x128xi32, #tpu.memory_space<vmem>>) target_semaphore(%run_scoped3A : memref<!tpu.dma_semaphore, #tpu.memory_space<semaphore_mem>>)
          %dma_wait3A_93 = arith.constant 0 : i32
          %dma_wait3A_94 = tpu.memref_slice %arg3[%dma_wait3A_93, %add3A_81] : memref<2x320000xi32, #tpu.memory_space<hbm>> -> memref<2x128xi32, #tpu.memory_space<hbm>>
          %dma_wait3A_95 = arith.constant 0 : i32
          %dma_wait3A_96 = tpu.memref_slice %arg3[%dma_wait3A_95, %add3A_81] : memref<2x320000xi32, #tpu.memory_space<hbm>> -> memref<2x128xi32, #tpu.memory_space<hbm>>
          tpu.wait_dma2 semaphore(%run_scoped3A : memref<!tpu.dma_semaphore, #tpu.memory_space<semaphore_mem>>) src(%dma_wait3A_96 : memref<2x128xi32, #tpu.memory_space<hbm>>) dst(%arg7 : memref<2x128xi32, #tpu.memory_space<vmem>>)
          tpu.yield
        }) : () -> ()
        %dma_start3A_82 = arith.constant 0 : i32
        %dma_start3A_83 = arith.constant 0 : i32
        %dma_start3A_84 = tpu.memref_slice %arg7[%dma_start3A_82, %dma_start3A_83] : memref<2x128xi32, #tpu.memory_space<vmem>> -> memref<1x128xi32, #tpu.memory_space<vmem>>
        %dma_start3A_85 = tpu.memref_squeeze %dma_start3A_84 : memref<1x128xi32, #tpu.memory_space<vmem>> -> memref<128xi32, #tpu.memory_space<vmem>>
        %dma_start3A_86 = arith.constant 0 : i32
        %dma_start3A_87 = arith.constant 0 : i32
        %dma_start3A_88 = tpu.memref_slice %arg2[%dma_start3A_86, %dma_start3A_87] : memref<10000x128xf32, #tpu.memory_space<hbm>> -> memref<10000x128xf32, #tpu.memory_space<hbm>>
        tpu.enqueue_indirect_dma source(%dma_start3A_88 : memref<10000x128xf32, #tpu.memory_space<hbm>>) target(%arg9 : memref<128x128xf32, #tpu.memory_space<vmem>>) offsets(%dma_start3A_85 : memref<128xi32, #tpu.memory_space<vmem>>) semaphore(%arg12 : memref<!tpu.dma_semaphore, #tpu.memory_space<semaphore_mem>>)
      } else {
      }
      %dma_wait3A = arith.constant 0 : i32
      %dma_wait3A_36 = arith.constant 0 : i32
      %dma_wait3A_37 = tpu.memref_slice %arg6[%dma_wait3A, %dma_wait3A_36] : memref<2x128xi32, #tpu.memory_space<vmem>> -> memref<1x128xi32, #tpu.memory_space<vmem>>
      %dma_wait3A_38 = tpu.memref_squeeze %dma_wait3A_37 : memref<1x128xi32, #tpu.memory_space<vmem>> -> memref<128xi32, #tpu.memory_space<vmem>>
      %dma_wait3A_39 = arith.constant 0 : i32
      %dma_wait3A_40 = arith.constant 0 : i32
      %dma_wait3A_41 = tpu.memref_slice %arg2[%dma_wait3A_39, %dma_wait3A_40] : memref<10000x128xf32, #tpu.memory_space<hbm>> -> memref<10000x128xf32, #tpu.memory_space<hbm>>
      tpu.wait_indirect_dma semaphore(%arg11 : memref<!tpu.dma_semaphore, #tpu.memory_space<semaphore_mem>>) src(%dma_wait3A_41 : memref<10000x128xf32, #tpu.memory_space<hbm>>) dst(%arg8 : memref<128x128xf32, #tpu.memory_space<vmem>>)
      %dma_start3A_42 = arith.constant 1 : i32
      %dma_start3A_43 = arith.constant 0 : i32
      %dma_start3A_44 = tpu.memref_slice %arg6[%dma_start3A_42, %dma_start3A_43] : memref<2x128xi32, #tpu.memory_space<vmem>> -> memref<1x128xi32, #tpu.memory_space<vmem>>
      %dma_start3A_45 = tpu.memref_squeeze %dma_start3A_44 : memref<1x128xi32, #tpu.memory_space<vmem>> -> memref<128xi32, #tpu.memory_space<vmem>>
      %dma_start3A_46 = arith.constant 0 : i32
      %dma_start3A_47 = arith.constant 0 : i32
      %dma_start3A_48 = tpu.memref_slice %arg10[%dma_start3A_46, %dma_start3A_47] : memref<4096x128xf32, #tpu.memory_space<vmem_shared>> -> memref<4096x128xf32, #tpu.memory_space<vmem_shared>>
      tpu.enqueue_indirect_dma source(%arg8 : memref<128x128xf32, #tpu.memory_space<vmem>>) target(%dma_start3A_48 : memref<4096x128xf32, #tpu.memory_space<vmem_shared>>) offsets(%dma_start3A_45 : memref<128xi32, #tpu.memory_space<vmem>>) semaphore(%arg13 : memref<!tpu.dma_semaphore, #tpu.memory_space<semaphore_mem>>) {add = true}
      %add3A_49 = arith.constant 1 : i32
      %add3A_50 = arith.addi %mul3A_28, %add3A_49 : i32
      %lt3A_51 = arith.constant 78 : i32
      %lt3A_52 = arith.cmpi slt, %add3A_50, %lt3A_51 : i32
      %convert_element_type3A_53 = arith.extui %lt3A_52 : i1 to i32
      %cond3A_54 = arith.constant 0 : i32
      %cond3A_55 = arith.cmpi ne, %convert_element_type3A_53, %cond3A_54 : i32
      scf.if %cond3A_55 {
        %dma_wait3A_77 = arith.constant 0 : i32
        %dma_wait3A_78 = arith.constant 0 : i32
        %dma_wait3A_79 = tpu.memref_slice %arg7[%dma_wait3A_77, %dma_wait3A_78] : memref<2x128xi32, #tpu.memory_space<vmem>> -> memref<1x128xi32, #tpu.memory_space<vmem>>
        %dma_wait3A_80 = tpu.memref_squeeze %dma_wait3A_79 : memref<1x128xi32, #tpu.memory_space<vmem>> -> memref<128xi32, #tpu.memory_space<vmem>>
        %dma_wait3A_81 = arith.constant 0 : i32
        %dma_wait3A_82 = arith.constant 0 : i32
        %dma_wait3A_83 = tpu.memref_slice %arg2[%dma_wait3A_81, %dma_wait3A_82] : memref<10000x128xf32, #tpu.memory_space<hbm>> -> memref<10000x128xf32, #tpu.memory_space<hbm>>
        tpu.wait_indirect_dma semaphore(%arg12 : memref<!tpu.dma_semaphore, #tpu.memory_space<semaphore_mem>>) src(%dma_wait3A_83 : memref<10000x128xf32, #tpu.memory_space<hbm>>) dst(%arg9 : memref<128x128xf32, #tpu.memory_space<vmem>>)
        %dma_start3A_84 = arith.constant 1 : i32
        %dma_start3A_85 = arith.constant 0 : i32
        %dma_start3A_86 = tpu.memref_slice %arg7[%dma_start3A_84, %dma_start3A_85] : memref<2x128xi32, #tpu.memory_space<vmem>> -> memref<1x128xi32, #tpu.memory_space<vmem>>
        %dma_start3A_87 = tpu.memref_squeeze %dma_start3A_86 : memref<1x128xi32, #tpu.memory_space<vmem>> -> memref<128xi32, #tpu.memory_space<vmem>>
        %dma_start3A_88 = arith.constant 0 : i32
        %dma_start3A_89 = arith.constant 0 : i32
        %dma_start3A_90 = tpu.memref_slice %arg10[%dma_start3A_88, %dma_start3A_89] : memref<4096x128xf32, #tpu.memory_space<vmem_shared>> -> memref<4096x128xf32, #tpu.memory_space<vmem_shared>>
        tpu.enqueue_indirect_dma source(%arg9 : memref<128x128xf32, #tpu.memory_space<vmem>>) target(%dma_start3A_90 : memref<4096x128xf32, #tpu.memory_space<vmem_shared>>) offsets(%dma_start3A_87 : memref<128xi32, #tpu.memory_space<vmem>>) semaphore(%arg14 : memref<!tpu.dma_semaphore, #tpu.memory_space<semaphore_mem>>) {add = true}
      } else {
      }
      %dma_wait3A_56 = arith.constant 1 : i32
      %dma_wait3A_57 = arith.constant 0 : i32
      %dma_wait3A_58 = tpu.memref_slice %arg6[%dma_wait3A_56, %dma_wait3A_57] : memref<2x128xi32, #tpu.memory_space<vmem>> -> memref<1x128xi32, #tpu.memory_space<vmem>>
      %dma_wait3A_59 = tpu.memref_squeeze %dma_wait3A_58 : memref<1x128xi32, #tpu.memory_space<vmem>> -> memref<128xi32, #tpu.memory_space<vmem>>
      %dma_wait3A_60 = arith.constant 0 : i32
      %dma_wait3A_61 = arith.constant 0 : i32
      %dma_wait3A_62 = tpu.memref_slice %arg10[%dma_wait3A_60, %dma_wait3A_61] : memref<4096x128xf32, #tpu.memory_space<vmem_shared>> -> memref<4096x128xf32, #tpu.memory_space<vmem_shared>>
      tpu.wait_indirect_dma semaphore(%arg13 : memref<!tpu.dma_semaphore, #tpu.memory_space<semaphore_mem>>) src(%arg8 : memref<128x128xf32, #tpu.memory_space<vmem>>) dst(%dma_wait3A_62 : memref<4096x128xf32, #tpu.memory_space<vmem_shared>>)
      %add3A_63 = arith.constant 2 : i32
      %add3A_64 = arith.addi %mul3A_28, %add3A_63 : i32
      %lt3A_65 = arith.constant 78 : i32
      %lt3A_66 = arith.cmpi slt, %add3A_64, %lt3A_65 : i32
      %convert_element_type3A_67 = arith.extui %lt3A_66 : i1 to i32
      %cond3A_68 = arith.constant 0 : i32
      %cond3A_69 = arith.cmpi ne, %convert_element_type3A_67, %cond3A_68 : i32
      scf.if %cond3A_69 {
        %add3A_77 = arith.constant 2 : i32
        %add3A_78 = arith.addi %mul3A_28, %add3A_77 : i32
        %mul3A_79 = arith.constant 128 : i32
        %mul3A_80 = arith.muli %add3A_78, %mul3A_79 : i32
        %add3A_81 = arith.addi %mul3A_4, %mul3A_80 : i32
        "tpu.region"() ({
          %run_scoped3A = tpu.sem_alloc : memref<!tpu.dma_semaphore, #tpu.memory_space<semaphore_mem>>
          %dma_start3A_89 = arith.constant 0 : i32
          %dma_start3A_90 = tpu.memref_slice %arg3[%dma_start3A_89, %add3A_81] : memref<2x320000xi32, #tpu.memory_space<hbm>> -> memref<2x128xi32, #tpu.memory_space<hbm>>
          %dma_start3A_91 = arith.constant 0 : i32
          %dma_start3A_92 = tpu.memref_slice %arg3[%dma_start3A_91, %add3A_81] : memref<2x320000xi32, #tpu.memory_space<hbm>> -> memref<2x128xi32, #tpu.memory_space<hbm>>
          tpu.enqueue_dma source(%dma_start3A_92 : memref<2x128xi32, #tpu.memory_space<hbm>>) target(%arg6 : memref<2x128xi32, #tpu.memory_space<vmem>>) target_semaphore(%run_scoped3A : memref<!tpu.dma_semaphore, #tpu.memory_space<semaphore_mem>>)
          %dma_wait3A_93 = arith.constant 0 : i32
          %dma_wait3A_94 = tpu.memref_slice %arg3[%dma_wait3A_93, %add3A_81] : memref<2x320000xi32, #tpu.memory_space<hbm>> -> memref<2x128xi32, #tpu.memory_space<hbm>>
          %dma_wait3A_95 = arith.constant 0 : i32
          %dma_wait3A_96 = tpu.memref_slice %arg3[%dma_wait3A_95, %add3A_81] : memref<2x320000xi32, #tpu.memory_space<hbm>> -> memref<2x128xi32, #tpu.memory_space<hbm>>
          tpu.wait_dma2 semaphore(%run_scoped3A : memref<!tpu.dma_semaphore, #tpu.memory_space<semaphore_mem>>) src(%dma_wait3A_96 : memref<2x128xi32, #tpu.memory_space<hbm>>) dst(%arg6 : memref<2x128xi32, #tpu.memory_space<vmem>>)
          tpu.yield
        }) : () -> ()
        %dma_start3A_82 = arith.constant 0 : i32
        %dma_start3A_83 = arith.constant 0 : i32
        %dma_start3A_84 = tpu.memref_slice %arg6[%dma_start3A_82, %dma_start3A_83] : memref<2x128xi32, #tpu.memory_space<vmem>> -> memref<1x128xi32, #tpu.memory_space<vmem>>
        %dma_start3A_85 = tpu.memref_squeeze %dma_start3A_84 : memref<1x128xi32, #tpu.memory_space<vmem>> -> memref<128xi32, #tpu.memory_space<vmem>>
        %dma_start3A_86 = arith.constant 0 : i32
        %dma_start3A_87 = arith.constant 0 : i32
        %dma_start3A_88 = tpu.memref_slice %arg2[%dma_start3A_86, %dma_start3A_87] : memref<10000x128xf32, #tpu.memory_space<hbm>> -> memref<10000x128xf32, #tpu.memory_space<hbm>>
        tpu.enqueue_indirect_dma source(%dma_start3A_88 : memref<10000x128xf32, #tpu.memory_space<hbm>>) target(%arg8 : memref<128x128xf32, #tpu.memory_space<vmem>>) offsets(%dma_start3A_85 : memref<128xi32, #tpu.memory_space<vmem>>) semaphore(%arg11 : memref<!tpu.dma_semaphore, #tpu.memory_space<semaphore_mem>>)
      } else {
      }
      %add3A_70 = arith.constant 1 : i32
      %add3A_71 = arith.addi %mul3A_28, %add3A_70 : i32
      %lt3A_72 = arith.constant 78 : i32
      %lt3A_73 = arith.cmpi slt, %add3A_71, %lt3A_72 : i32
      %convert_element_type3A_74 = arith.extui %lt3A_73 : i1 to i32
      %cond3A_75 = arith.constant 0 : i32
      %cond3A_76 = arith.cmpi ne, %convert_element_type3A_74, %cond3A_75 : i32
      scf.if %cond3A_76 {
        %dma_wait3A_77 = arith.constant 1 : i32
        %dma_wait3A_78 = arith.constant 0 : i32
        %dma_wait3A_79 = tpu.memref_slice %arg7[%dma_wait3A_77, %dma_wait3A_78] : memref<2x128xi32, #tpu.memory_space<vmem>> -> memref<1x128xi32, #tpu.memory_space<vmem>>
        %dma_wait3A_80 = tpu.memref_squeeze %dma_wait3A_79 : memref<1x128xi32, #tpu.memory_space<vmem>> -> memref<128xi32, #tpu.memory_space<vmem>>
        %dma_wait3A_81 = arith.constant 0 : i32
        %dma_wait3A_82 = arith.constant 0 : i32
        %dma_wait3A_83 = tpu.memref_slice %arg10[%dma_wait3A_81, %dma_wait3A_82] : memref<4096x128xf32, #tpu.memory_space<vmem_shared>> -> memref<4096x128xf32, #tpu.memory_space<vmem_shared>>
        tpu.wait_indirect_dma semaphore(%arg14 : memref<!tpu.dma_semaphore, #tpu.memory_space<semaphore_mem>>) src(%arg9 : memref<128x128xf32, #tpu.memory_space<vmem>>) dst(%dma_wait3A_83 : memref<4096x128xf32, #tpu.memory_space<vmem_shared>>)
      } else {
      }
    }
    %scan3A_14 = arith.constant 39 : i32
    %lt3A = arith.constant 4 : i32
    %lt3A_15 = arith.cmpi slt, %add3A, %lt3A : i32
    %convert_element_type3A = arith.extui %lt3A_15 : i1 to i32
    %cond3A = arith.constant 0 : i32
    %cond3A_16 = arith.cmpi ne, %convert_element_type3A, %cond3A : i32
    scf.if %cond3A_16 {
      %mul3A_22 = arith.constant 128 : i32
      %mul3A_23 = arith.muli %add3A, %mul3A_22 : i32
      %add3A_24 = arith.constant 319488 : i32
      %add3A_25 = arith.addi %add3A_24, %mul3A_23 : i32
      "tpu.region"() ({
        %run_scoped3A = tpu.sem_alloc : memref<!tpu.dma_semaphore, #tpu.memory_space<semaphore_mem>>
        %dma_start3A_53 = arith.constant 0 : i32
        %dma_start3A_54 = tpu.memref_slice %arg3[%dma_start3A_53, %add3A_25] : memref<2x320000xi32, #tpu.memory_space<hbm>> -> memref<2x128xi32, #tpu.memory_space<hbm>>
        %dma_start3A_55 = arith.constant 0 : i32
        %dma_start3A_56 = tpu.memref_slice %arg3[%dma_start3A_55, %add3A_25] : memref<2x320000xi32, #tpu.memory_space<hbm>> -> memref<2x128xi32, #tpu.memory_space<hbm>>
        tpu.enqueue_dma source(%dma_start3A_56 : memref<2x128xi32, #tpu.memory_space<hbm>>) target(%arg6 : memref<2x128xi32, #tpu.memory_space<vmem>>) target_semaphore(%run_scoped3A : memref<!tpu.dma_semaphore, #tpu.memory_space<semaphore_mem>>)
        %dma_wait3A_57 = arith.constant 0 : i32
        %dma_wait3A_58 = tpu.memref_slice %arg3[%dma_wait3A_57, %add3A_25] : memref<2x320000xi32, #tpu.memory_space<hbm>> -> memref<2x128xi32, #tpu.memory_space<hbm>>
        %dma_wait3A_59 = arith.constant 0 : i32
        %dma_wait3A_60 = tpu.memref_slice %arg3[%dma_wait3A_59, %add3A_25] : memref<2x320000xi32, #tpu.memory_space<hbm>> -> memref<2x128xi32, #tpu.memory_space<hbm>>
        tpu.wait_dma2 semaphore(%run_scoped3A : memref<!tpu.dma_semaphore, #tpu.memory_space<semaphore_mem>>) src(%dma_wait3A_60 : memref<2x128xi32, #tpu.memory_space<hbm>>) dst(%arg6 : memref<2x128xi32, #tpu.memory_space<vmem>>)
        tpu.yield
      }) : () -> ()
      %dma_start3A_26 = arith.constant 0 : i32
      %dma_start3A_27 = arith.constant 0 : i32
      %dma_start3A_28 = tpu.memref_slice %arg6[%dma_start3A_26, %dma_start3A_27] : memref<2x128xi32, #tpu.memory_space<vmem>> -> memref<1x128xi32, #tpu.memory_space<vmem>>
      %dma_start3A_29 = tpu.memref_squeeze %dma_start3A_28 : memref<1x128xi32, #tpu.memory_space<vmem>> -> memref<128xi32, #tpu.memory_space<vmem>>
      %dma_start3A_30 = arith.constant 0 : i32
      %dma_start3A_31 = arith.constant 0 : i32
      %dma_start3A_32 = tpu.memref_slice %arg2[%dma_start3A_30, %dma_start3A_31] : memref<10000x128xf32, #tpu.memory_space<hbm>> -> memref<10000x128xf32, #tpu.memory_space<hbm>>
      tpu.enqueue_indirect_dma source(%dma_start3A_32 : memref<10000x128xf32, #tpu.memory_space<hbm>>) target(%arg8 : memref<128x128xf32, #tpu.memory_space<vmem>>) offsets(%dma_start3A_29 : memref<128xi32, #tpu.memory_space<vmem>>) semaphore(%arg11 : memref<!tpu.dma_semaphore, #tpu.memory_space<semaphore_mem>>)
      %dma_wait3A = arith.constant 0 : i32
      %dma_wait3A_33 = arith.constant 0 : i32
      %dma_wait3A_34 = tpu.memref_slice %arg6[%dma_wait3A, %dma_wait3A_33] : memref<2x128xi32, #tpu.memory_space<vmem>> -> memref<1x128xi32, #tpu.memory_space<vmem>>
      %dma_wait3A_35 = tpu.memref_squeeze %dma_wait3A_34 : memref<1x128xi32, #tpu.memory_space<vmem>> -> memref<128xi32, #tpu.memory_space<vmem>>
      %dma_wait3A_36 = arith.constant 0 : i32
      %dma_wait3A_37 = arith.constant 0 : i32
      %dma_wait3A_38 = tpu.memref_slice %arg2[%dma_wait3A_36, %dma_wait3A_37] : memref<10000x128xf32, #tpu.memory_space<hbm>> -> memref<10000x128xf32, #tpu.memory_space<hbm>>
      tpu.wait_indirect_dma semaphore(%arg11 : memref<!tpu.dma_semaphore, #tpu.memory_space<semaphore_mem>>) src(%dma_wait3A_38 : memref<10000x128xf32, #tpu.memory_space<hbm>>) dst(%arg8 : memref<128x128xf32, #tpu.memory_space<vmem>>)
      %dma_start3A_39 = arith.constant 1 : i32
      %dma_start3A_40 = arith.constant 0 : i32
      %dma_start3A_41 = tpu.memref_slice %arg6[%dma_start3A_39, %dma_start3A_40] : memref<2x128xi32, #tpu.memory_space<vmem>> -> memref<1x128xi32, #tpu.memory_space<vmem>>
      %dma_start3A_42 = tpu.memref_squeeze %dma_start3A_41 : memref<1x128xi32, #tpu.memory_space<vmem>> -> memref<128xi32, #tpu.memory_space<vmem>>
      %dma_start3A_43 = arith.constant 0 : i32
      %dma_start3A_44 = arith.constant 0 : i32
      %dma_start3A_45 = tpu.memref_slice %arg10[%dma_start3A_43, %dma_start3A_44] : memref<4096x128xf32, #tpu.memory_space<vmem_shared>> -> memref<4096x128xf32, #tpu.memory_space<vmem_shared>>
      tpu.enqueue_indirect_dma source(%arg8 : memref<128x128xf32, #tpu.memory_space<vmem>>) target(%dma_start3A_45 : memref<4096x128xf32, #tpu.memory_space<vmem_shared>>) offsets(%dma_start3A_42 : memref<128xi32, #tpu.memory_space<vmem>>) semaphore(%arg13 : memref<!tpu.dma_semaphore, #tpu.memory_space<semaphore_mem>>) {add = true}
      %dma_wait3A_46 = arith.constant 1 : i32
      %dma_wait3A_47 = arith.constant 0 : i32
      %dma_wait3A_48 = tpu.memref_slice %arg6[%dma_wait3A_46, %dma_wait3A_47] : memref<2x128xi32, #tpu.memory_space<vmem>> -> memref<1x128xi32, #tpu.memory_space<vmem>>
      %dma_wait3A_49 = tpu.memref_squeeze %dma_wait3A_48 : memref<1x128xi32, #tpu.memory_space<vmem>> -> memref<128xi32, #tpu.memory_space<vmem>>
      %dma_wait3A_50 = arith.constant 0 : i32
      %dma_wait3A_51 = arith.constant 0 : i32
      %dma_wait3A_52 = tpu.memref_slice %arg10[%dma_wait3A_50, %dma_wait3A_51] : memref<4096x128xf32, #tpu.memory_space<vmem_shared>> -> memref<4096x128xf32, #tpu.memory_space<vmem_shared>>
      tpu.wait_indirect_dma semaphore(%arg13 : memref<!tpu.dma_semaphore, #tpu.memory_space<semaphore_mem>>) src(%arg8 : memref<128x128xf32, #tpu.memory_space<vmem>>) dst(%dma_wait3A_52 : memref<4096x128xf32, #tpu.memory_space<vmem_shared>>)
    } else {
    }
    %barrier3A_17 = arith.constant 0 : index
    tpu.barrier barrier_id(%barrier3A_17)
    %mul3A_18 = arith.constant 256 : i32
    %mul3A_19 = arith.muli %arg1, %mul3A_18 : i32
    %mul3A_20 = arith.constant 256 : i32
    %mul3A_21 = arith.muli %arg1, %mul3A_20 : i32
    "tpu.region"() ({
      %run_scoped3A = tpu.sem_alloc : memref<!tpu.dma_semaphore, #tpu.memory_space<semaphore_mem>>
      %dma_start3A_22 = arith.constant 0 : i32
      %dma_start3A_23 = tpu.memref_slice %arg5[%arg0, %mul3A_21, %dma_start3A_22] : memref<2x4096x128xf32, #tpu.memory_space<hbm>> -> memref<1x256x128xf32, #tpu.memory_space<hbm>>
      %dma_start3A_24 = tpu.memref_squeeze %dma_start3A_23 : memref<1x256x128xf32, #tpu.memory_space<hbm>> -> memref<256x128xf32, #tpu.memory_space<hbm>>
      %dma_start3A_25 = arith.constant 0 : i32
      %dma_start3A_26 = tpu.memref_slice %arg10[%mul3A_19, %dma_start3A_25] : memref<4096x128xf32, #tpu.memory_space<vmem_shared>> -> memref<256x128xf32, #tpu.memory_space<vmem_shared>>
      tpu.enqueue_dma source(%dma_start3A_26 : memref<256x128xf32, #tpu.memory_space<vmem_shared>>) target(%dma_start3A_24 : memref<256x128xf32, #tpu.memory_space<hbm>>) target_semaphore(%run_scoped3A : memref<!tpu.dma_semaphore, #tpu.memory_space<semaphore_mem>>)
      %dma_wait3A = arith.constant 0 : i32
      %dma_wait3A_27 = tpu.memref_slice %arg5[%arg0, %mul3A_21, %dma_wait3A] : memref<2x4096x128xf32, #tpu.memory_space<hbm>> -> memref<1x256x128xf32, #tpu.memory_space<hbm>>
      %dma_wait3A_28 = tpu.memref_squeeze %dma_wait3A_27 : memref<1x256x128xf32, #tpu.memory_space<hbm>> -> memref<256x128xf32, #tpu.memory_space<hbm>>
      %dma_wait3A_29 = arith.constant 0 : i32
      %dma_wait3A_30 = tpu.memref_slice %arg10[%mul3A_19, %dma_wait3A_29] : memref<4096x128xf32, #tpu.memory_space<vmem_shared>> -> memref<256x128xf32, #tpu.memory_space<vmem_shared>>
      tpu.wait_dma2 semaphore(%run_scoped3A : memref<!tpu.dma_semaphore, #tpu.memory_space<semaphore_mem>>) src(%dma_wait3A_30 : memref<256x128xf32, #tpu.memory_space<vmem_shared>>) dst(%dma_wait3A_28 : memref<256x128xf32, #tpu.memory_space<hbm>>)
      tpu.yield
    }) : () -> ()
    return
  }
}

#map = affine_map<(d0, d1) -> (0, 0)>
#map1 = affine_map<(d0, d1) -> (0, 0, 0)>
module attributes {stable_mosaic.version = 14 : i64} {
  func.func @edge_agg(%arg0: i32, %arg1: i32, %arg2: memref<4096x128xf32, #tpu.memory_space<hbm>>, %arg3: memref<2x32768xi32, #tpu.memory_space<hbm>>, %arg4: memref<64x128xf32, #tpu.memory_space<hbm>>, %arg5: memref<2x1024x128xf32, #tpu.memory_space<hbm>>, %arg6: memref<2x128xi32, #tpu.memory_space<vmem>>, %arg7: memref<2x128xi32, #tpu.memory_space<vmem>>, %arg8: memref<128x128xf32, #tpu.memory_space<vmem>>, %arg9: memref<128x128xf32, #tpu.memory_space<vmem>>, %arg10: memref<1024x128xf32, #tpu.memory_space<vmem_shared>>, %arg11: memref<!tpu.dma_semaphore, #tpu.memory_space<semaphore_mem>>, %arg12: memref<!tpu.dma_semaphore, #tpu.memory_space<semaphore_mem>>, %arg13: memref<!tpu.dma_semaphore, #tpu.memory_space<semaphore_mem>>, %arg14: memref<!tpu.dma_semaphore, #tpu.memory_space<semaphore_mem>>) attributes {dimension_semantics = [#tpu.dimension_semantics<core_parallel>, #tpu.dimension_semantics<subcore_parallel>], iteration_bounds = array<i64: 2, 16>, scalar_prefetch = 0 : i64, scratch_operands = 9 : i64, tpu.core_type = #tpu.core_type<sc_vector_subcore>, window_params = [{transform_indices = #map}, {transform_indices = #map}, {transform_indices = #map}, {transform_indices = #map1}]} {
    %mul3A = arith.constant 16 : i32
    %mul3A_0 = arith.muli %arg0, %mul3A : i32
    %add3A = arith.addi %mul3A_0, %arg1 : i32
    %mul3A_1 = arith.constant 64 : i32
    %mul3A_2 = arith.muli %arg1, %mul3A_1 : i32
    "tpu.region"() ({
      %run_scoped3A = tpu.sem_alloc : memref<!tpu.dma_semaphore, #tpu.memory_space<semaphore_mem>>
      %dma_start3A_20 = arith.constant 0 : i32
      %dma_start3A_21 = tpu.memref_slice %arg10[%mul3A_2, %dma_start3A_20] : memref<1024x128xf32, #tpu.memory_space<vmem_shared>> -> memref<64x128xf32, #tpu.memory_space<vmem_shared>>
      tpu.enqueue_dma source(%arg4 : memref<64x128xf32, #tpu.memory_space<hbm>>) target(%dma_start3A_21 : memref<64x128xf32, #tpu.memory_space<vmem_shared>>) target_semaphore(%run_scoped3A : memref<!tpu.dma_semaphore, #tpu.memory_space<semaphore_mem>>)
      %dma_wait3A = arith.constant 0 : i32
      %dma_wait3A_22 = tpu.memref_slice %arg10[%mul3A_2, %dma_wait3A] : memref<1024x128xf32, #tpu.memory_space<vmem_shared>> -> memref<64x128xf32, #tpu.memory_space<vmem_shared>>
      tpu.wait_dma2 semaphore(%run_scoped3A : memref<!tpu.dma_semaphore, #tpu.memory_space<semaphore_mem>>) src(%arg4 : memref<64x128xf32, #tpu.memory_space<hbm>>) dst(%dma_wait3A_22 : memref<64x128xf32, #tpu.memory_space<vmem_shared>>)
      tpu.yield
    }) : () -> ()
    %barrier3A = arith.constant 0 : index
    tpu.barrier barrier_id(%barrier3A)
    %mul3A_3 = arith.constant 1024 : i32
    %mul3A_4 = arith.muli %add3A, %mul3A_3 : i32
    "tpu.region"() ({
      %run_scoped3A = tpu.sem_alloc : memref<!tpu.dma_semaphore, #tpu.memory_space<semaphore_mem>>
      %dma_start3A_20 = arith.constant 0 : i32
      %dma_start3A_21 = tpu.memref_slice %arg3[%dma_start3A_20, %mul3A_4] : memref<2x32768xi32, #tpu.memory_space<hbm>> -> memref<2x128xi32, #tpu.memory_space<hbm>>
      %dma_start3A_22 = arith.constant 0 : i32
      %dma_start3A_23 = tpu.memref_slice %arg3[%dma_start3A_22, %mul3A_4] : memref<2x32768xi32, #tpu.memory_space<hbm>> -> memref<2x128xi32, #tpu.memory_space<hbm>>
      tpu.enqueue_dma source(%dma_start3A_23 : memref<2x128xi32, #tpu.memory_space<hbm>>) target(%arg6 : memref<2x128xi32, #tpu.memory_space<vmem>>) target_semaphore(%run_scoped3A : memref<!tpu.dma_semaphore, #tpu.memory_space<semaphore_mem>>)
      %dma_wait3A = arith.constant 0 : i32
      %dma_wait3A_24 = tpu.memref_slice %arg3[%dma_wait3A, %mul3A_4] : memref<2x32768xi32, #tpu.memory_space<hbm>> -> memref<2x128xi32, #tpu.memory_space<hbm>>
      %dma_wait3A_25 = arith.constant 0 : i32
      %dma_wait3A_26 = tpu.memref_slice %arg3[%dma_wait3A_25, %mul3A_4] : memref<2x32768xi32, #tpu.memory_space<hbm>> -> memref<2x128xi32, #tpu.memory_space<hbm>>
      tpu.wait_dma2 semaphore(%run_scoped3A : memref<!tpu.dma_semaphore, #tpu.memory_space<semaphore_mem>>) src(%dma_wait3A_26 : memref<2x128xi32, #tpu.memory_space<hbm>>) dst(%arg6 : memref<2x128xi32, #tpu.memory_space<vmem>>)
      tpu.yield
    }) : () -> ()
    %dma_start3A = arith.constant 0 : i32
    %dma_start3A_5 = arith.constant 0 : i32
    %dma_start3A_6 = tpu.memref_slice %arg6[%dma_start3A, %dma_start3A_5] : memref<2x128xi32, #tpu.memory_space<vmem>> -> memref<1x128xi32, #tpu.memory_space<vmem>>
    %dma_start3A_7 = tpu.memref_squeeze %dma_start3A_6 : memref<1x128xi32, #tpu.memory_space<vmem>> -> memref<128xi32, #tpu.memory_space<vmem>>
    %dma_start3A_8 = arith.constant 0 : i32
    %dma_start3A_9 = arith.constant 0 : i32
    %dma_start3A_10 = tpu.memref_slice %arg2[%dma_start3A_8, %dma_start3A_9] : memref<4096x128xf32, #tpu.memory_space<hbm>> -> memref<4096x128xf32, #tpu.memory_space<hbm>>
    tpu.enqueue_indirect_dma source(%dma_start3A_10 : memref<4096x128xf32, #tpu.memory_space<hbm>>) target(%arg8 : memref<128x128xf32, #tpu.memory_space<vmem>>) offsets(%dma_start3A_7 : memref<128xi32, #tpu.memory_space<vmem>>) semaphore(%arg11 : memref<!tpu.dma_semaphore, #tpu.memory_space<semaphore_mem>>)
    %scan3A = arith.constant 0 : i32
    %scan3A_11 = arith.constant 4 : i32
    %scan3A_12 = arith.addi %scan3A, %scan3A_11 : i32
    %scan3A_13 = arith.constant 1 : i32
    scf.for %scan3A_20 = %scan3A to %scan3A_12 step %scan3A_13  : i32 {
      %mul3A_21 = arith.constant 1 : i32
      %mul3A_22 = arith.muli %scan3A_20, %mul3A_21 : i32
      %add3A_23 = arith.constant 0 : i32
      %add3A_24 = arith.addi %add3A_23, %mul3A_22 : i32
      %mul3A_25 = arith.constant 2 : i32
      %mul3A_26 = arith.muli %mul3A_25, %add3A_24 : i32
      %add3A_27 = arith.constant 1 : i32
      %add3A_28 = arith.addi %mul3A_26, %add3A_27 : i32
      %lt3A = arith.constant 8 : i32
      %lt3A_29 = arith.cmpi slt, %add3A_28, %lt3A : i32
      %convert_element_type3A = arith.extui %lt3A_29 : i1 to i32
      %cond3A = arith.constant 0 : i32
      %cond3A_30 = arith.cmpi ne, %convert_element_type3A, %cond3A : i32
      scf.if %cond3A_30 {
        %add3A_72 = arith.constant 1 : i32
        %add3A_73 = arith.addi %mul3A_26, %add3A_72 : i32
        %mul3A_74 = arith.constant 128 : i32
        %mul3A_75 = arith.muli %add3A_73, %mul3A_74 : i32
        %add3A_76 = arith.addi %mul3A_4, %mul3A_75 : i32
        "tpu.region"() ({
          %run_scoped3A = tpu.sem_alloc : memref<!tpu.dma_semaphore, #tpu.memory_space<semaphore_mem>>
          %dma_start3A_84 = arith.constant 0 : i32
          %dma_start3A_85 = tpu.memref_slice %arg3[%dma_start3A_84, %add3A_76] : memref<2x32768xi32, #tpu.memory_space<hbm>> -> memref<2x128xi32, #tpu.memory_space<hbm>>
          %dma_start3A_86 = arith.constant 0 : i32
          %dma_start3A_87 = tpu.memref_slice %arg3[%dma_start3A_86, %add3A_76] : memref<2x32768xi32, #tpu.memory_space<hbm>> -> memref<2x128xi32, #tpu.memory_space<hbm>>
          tpu.enqueue_dma source(%dma_start3A_87 : memref<2x128xi32, #tpu.memory_space<hbm>>) target(%arg7 : memref<2x128xi32, #tpu.memory_space<vmem>>) target_semaphore(%run_scoped3A : memref<!tpu.dma_semaphore, #tpu.memory_space<semaphore_mem>>)
          %dma_wait3A_88 = arith.constant 0 : i32
          %dma_wait3A_89 = tpu.memref_slice %arg3[%dma_wait3A_88, %add3A_76] : memref<2x32768xi32, #tpu.memory_space<hbm>> -> memref<2x128xi32, #tpu.memory_space<hbm>>
          %dma_wait3A_90 = arith.constant 0 : i32
          %dma_wait3A_91 = tpu.memref_slice %arg3[%dma_wait3A_90, %add3A_76] : memref<2x32768xi32, #tpu.memory_space<hbm>> -> memref<2x128xi32, #tpu.memory_space<hbm>>
          tpu.wait_dma2 semaphore(%run_scoped3A : memref<!tpu.dma_semaphore, #tpu.memory_space<semaphore_mem>>) src(%dma_wait3A_91 : memref<2x128xi32, #tpu.memory_space<hbm>>) dst(%arg7 : memref<2x128xi32, #tpu.memory_space<vmem>>)
          tpu.yield
        }) : () -> ()
        %dma_start3A_77 = arith.constant 0 : i32
        %dma_start3A_78 = arith.constant 0 : i32
        %dma_start3A_79 = tpu.memref_slice %arg7[%dma_start3A_77, %dma_start3A_78] : memref<2x128xi32, #tpu.memory_space<vmem>> -> memref<1x128xi32, #tpu.memory_space<vmem>>
        %dma_start3A_80 = tpu.memref_squeeze %dma_start3A_79 : memref<1x128xi32, #tpu.memory_space<vmem>> -> memref<128xi32, #tpu.memory_space<vmem>>
        %dma_start3A_81 = arith.constant 0 : i32
        %dma_start3A_82 = arith.constant 0 : i32
        %dma_start3A_83 = tpu.memref_slice %arg2[%dma_start3A_81, %dma_start3A_82] : memref<4096x128xf32, #tpu.memory_space<hbm>> -> memref<4096x128xf32, #tpu.memory_space<hbm>>
        tpu.enqueue_indirect_dma source(%dma_start3A_83 : memref<4096x128xf32, #tpu.memory_space<hbm>>) target(%arg9 : memref<128x128xf32, #tpu.memory_space<vmem>>) offsets(%dma_start3A_80 : memref<128xi32, #tpu.memory_space<vmem>>) semaphore(%arg12 : memref<!tpu.dma_semaphore, #tpu.memory_space<semaphore_mem>>)
      } else {
      }
      %dma_wait3A = arith.constant 0 : i32
      %dma_wait3A_31 = arith.constant 0 : i32
      %dma_wait3A_32 = tpu.memref_slice %arg6[%dma_wait3A, %dma_wait3A_31] : memref<2x128xi32, #tpu.memory_space<vmem>> -> memref<1x128xi32, #tpu.memory_space<vmem>>
      %dma_wait3A_33 = tpu.memref_squeeze %dma_wait3A_32 : memref<1x128xi32, #tpu.memory_space<vmem>> -> memref<128xi32, #tpu.memory_space<vmem>>
      %dma_wait3A_34 = arith.constant 0 : i32
      %dma_wait3A_35 = arith.constant 0 : i32
      %dma_wait3A_36 = tpu.memref_slice %arg2[%dma_wait3A_34, %dma_wait3A_35] : memref<4096x128xf32, #tpu.memory_space<hbm>> -> memref<4096x128xf32, #tpu.memory_space<hbm>>
      tpu.wait_indirect_dma semaphore(%arg11 : memref<!tpu.dma_semaphore, #tpu.memory_space<semaphore_mem>>) src(%dma_wait3A_36 : memref<4096x128xf32, #tpu.memory_space<hbm>>) dst(%arg8 : memref<128x128xf32, #tpu.memory_space<vmem>>)
      %dma_start3A_37 = arith.constant 1 : i32
      %dma_start3A_38 = arith.constant 0 : i32
      %dma_start3A_39 = tpu.memref_slice %arg6[%dma_start3A_37, %dma_start3A_38] : memref<2x128xi32, #tpu.memory_space<vmem>> -> memref<1x128xi32, #tpu.memory_space<vmem>>
      %dma_start3A_40 = tpu.memref_squeeze %dma_start3A_39 : memref<1x128xi32, #tpu.memory_space<vmem>> -> memref<128xi32, #tpu.memory_space<vmem>>
      %dma_start3A_41 = arith.constant 0 : i32
      %dma_start3A_42 = arith.constant 0 : i32
      %dma_start3A_43 = tpu.memref_slice %arg10[%dma_start3A_41, %dma_start3A_42] : memref<1024x128xf32, #tpu.memory_space<vmem_shared>> -> memref<1024x128xf32, #tpu.memory_space<vmem_shared>>
      tpu.enqueue_indirect_dma source(%arg8 : memref<128x128xf32, #tpu.memory_space<vmem>>) target(%dma_start3A_43 : memref<1024x128xf32, #tpu.memory_space<vmem_shared>>) offsets(%dma_start3A_40 : memref<128xi32, #tpu.memory_space<vmem>>) semaphore(%arg13 : memref<!tpu.dma_semaphore, #tpu.memory_space<semaphore_mem>>) {add = true}
      %add3A_44 = arith.constant 1 : i32
      %add3A_45 = arith.addi %mul3A_26, %add3A_44 : i32
      %lt3A_46 = arith.constant 8 : i32
      %lt3A_47 = arith.cmpi slt, %add3A_45, %lt3A_46 : i32
      %convert_element_type3A_48 = arith.extui %lt3A_47 : i1 to i32
      %cond3A_49 = arith.constant 0 : i32
      %cond3A_50 = arith.cmpi ne, %convert_element_type3A_48, %cond3A_49 : i32
      scf.if %cond3A_50 {
        %dma_wait3A_72 = arith.constant 0 : i32
        %dma_wait3A_73 = arith.constant 0 : i32
        %dma_wait3A_74 = tpu.memref_slice %arg7[%dma_wait3A_72, %dma_wait3A_73] : memref<2x128xi32, #tpu.memory_space<vmem>> -> memref<1x128xi32, #tpu.memory_space<vmem>>
        %dma_wait3A_75 = tpu.memref_squeeze %dma_wait3A_74 : memref<1x128xi32, #tpu.memory_space<vmem>> -> memref<128xi32, #tpu.memory_space<vmem>>
        %dma_wait3A_76 = arith.constant 0 : i32
        %dma_wait3A_77 = arith.constant 0 : i32
        %dma_wait3A_78 = tpu.memref_slice %arg2[%dma_wait3A_76, %dma_wait3A_77] : memref<4096x128xf32, #tpu.memory_space<hbm>> -> memref<4096x128xf32, #tpu.memory_space<hbm>>
        tpu.wait_indirect_dma semaphore(%arg12 : memref<!tpu.dma_semaphore, #tpu.memory_space<semaphore_mem>>) src(%dma_wait3A_78 : memref<4096x128xf32, #tpu.memory_space<hbm>>) dst(%arg9 : memref<128x128xf32, #tpu.memory_space<vmem>>)
        %dma_start3A_79 = arith.constant 1 : i32
        %dma_start3A_80 = arith.constant 0 : i32
        %dma_start3A_81 = tpu.memref_slice %arg7[%dma_start3A_79, %dma_start3A_80] : memref<2x128xi32, #tpu.memory_space<vmem>> -> memref<1x128xi32, #tpu.memory_space<vmem>>
        %dma_start3A_82 = tpu.memref_squeeze %dma_start3A_81 : memref<1x128xi32, #tpu.memory_space<vmem>> -> memref<128xi32, #tpu.memory_space<vmem>>
        %dma_start3A_83 = arith.constant 0 : i32
        %dma_start3A_84 = arith.constant 0 : i32
        %dma_start3A_85 = tpu.memref_slice %arg10[%dma_start3A_83, %dma_start3A_84] : memref<1024x128xf32, #tpu.memory_space<vmem_shared>> -> memref<1024x128xf32, #tpu.memory_space<vmem_shared>>
        tpu.enqueue_indirect_dma source(%arg9 : memref<128x128xf32, #tpu.memory_space<vmem>>) target(%dma_start3A_85 : memref<1024x128xf32, #tpu.memory_space<vmem_shared>>) offsets(%dma_start3A_82 : memref<128xi32, #tpu.memory_space<vmem>>) semaphore(%arg14 : memref<!tpu.dma_semaphore, #tpu.memory_space<semaphore_mem>>) {add = true}
      } else {
      }
      %dma_wait3A_51 = arith.constant 1 : i32
      %dma_wait3A_52 = arith.constant 0 : i32
      %dma_wait3A_53 = tpu.memref_slice %arg6[%dma_wait3A_51, %dma_wait3A_52] : memref<2x128xi32, #tpu.memory_space<vmem>> -> memref<1x128xi32, #tpu.memory_space<vmem>>
      %dma_wait3A_54 = tpu.memref_squeeze %dma_wait3A_53 : memref<1x128xi32, #tpu.memory_space<vmem>> -> memref<128xi32, #tpu.memory_space<vmem>>
      %dma_wait3A_55 = arith.constant 0 : i32
      %dma_wait3A_56 = arith.constant 0 : i32
      %dma_wait3A_57 = tpu.memref_slice %arg10[%dma_wait3A_55, %dma_wait3A_56] : memref<1024x128xf32, #tpu.memory_space<vmem_shared>> -> memref<1024x128xf32, #tpu.memory_space<vmem_shared>>
      tpu.wait_indirect_dma semaphore(%arg13 : memref<!tpu.dma_semaphore, #tpu.memory_space<semaphore_mem>>) src(%arg8 : memref<128x128xf32, #tpu.memory_space<vmem>>) dst(%dma_wait3A_57 : memref<1024x128xf32, #tpu.memory_space<vmem_shared>>)
      %add3A_58 = arith.constant 2 : i32
      %add3A_59 = arith.addi %mul3A_26, %add3A_58 : i32
      %lt3A_60 = arith.constant 8 : i32
      %lt3A_61 = arith.cmpi slt, %add3A_59, %lt3A_60 : i32
      %convert_element_type3A_62 = arith.extui %lt3A_61 : i1 to i32
      %cond3A_63 = arith.constant 0 : i32
      %cond3A_64 = arith.cmpi ne, %convert_element_type3A_62, %cond3A_63 : i32
      scf.if %cond3A_64 {
        %add3A_72 = arith.constant 2 : i32
        %add3A_73 = arith.addi %mul3A_26, %add3A_72 : i32
        %mul3A_74 = arith.constant 128 : i32
        %mul3A_75 = arith.muli %add3A_73, %mul3A_74 : i32
        %add3A_76 = arith.addi %mul3A_4, %mul3A_75 : i32
        "tpu.region"() ({
          %run_scoped3A = tpu.sem_alloc : memref<!tpu.dma_semaphore, #tpu.memory_space<semaphore_mem>>
          %dma_start3A_84 = arith.constant 0 : i32
          %dma_start3A_85 = tpu.memref_slice %arg3[%dma_start3A_84, %add3A_76] : memref<2x32768xi32, #tpu.memory_space<hbm>> -> memref<2x128xi32, #tpu.memory_space<hbm>>
          %dma_start3A_86 = arith.constant 0 : i32
          %dma_start3A_87 = tpu.memref_slice %arg3[%dma_start3A_86, %add3A_76] : memref<2x32768xi32, #tpu.memory_space<hbm>> -> memref<2x128xi32, #tpu.memory_space<hbm>>
          tpu.enqueue_dma source(%dma_start3A_87 : memref<2x128xi32, #tpu.memory_space<hbm>>) target(%arg6 : memref<2x128xi32, #tpu.memory_space<vmem>>) target_semaphore(%run_scoped3A : memref<!tpu.dma_semaphore, #tpu.memory_space<semaphore_mem>>)
          %dma_wait3A_88 = arith.constant 0 : i32
          %dma_wait3A_89 = tpu.memref_slice %arg3[%dma_wait3A_88, %add3A_76] : memref<2x32768xi32, #tpu.memory_space<hbm>> -> memref<2x128xi32, #tpu.memory_space<hbm>>
          %dma_wait3A_90 = arith.constant 0 : i32
          %dma_wait3A_91 = tpu.memref_slice %arg3[%dma_wait3A_90, %add3A_76] : memref<2x32768xi32, #tpu.memory_space<hbm>> -> memref<2x128xi32, #tpu.memory_space<hbm>>
          tpu.wait_dma2 semaphore(%run_scoped3A : memref<!tpu.dma_semaphore, #tpu.memory_space<semaphore_mem>>) src(%dma_wait3A_91 : memref<2x128xi32, #tpu.memory_space<hbm>>) dst(%arg6 : memref<2x128xi32, #tpu.memory_space<vmem>>)
          tpu.yield
        }) : () -> ()
        %dma_start3A_77 = arith.constant 0 : i32
        %dma_start3A_78 = arith.constant 0 : i32
        %dma_start3A_79 = tpu.memref_slice %arg6[%dma_start3A_77, %dma_start3A_78] : memref<2x128xi32, #tpu.memory_space<vmem>> -> memref<1x128xi32, #tpu.memory_space<vmem>>
        %dma_start3A_80 = tpu.memref_squeeze %dma_start3A_79 : memref<1x128xi32, #tpu.memory_space<vmem>> -> memref<128xi32, #tpu.memory_space<vmem>>
        %dma_start3A_81 = arith.constant 0 : i32
        %dma_start3A_82 = arith.constant 0 : i32
        %dma_start3A_83 = tpu.memref_slice %arg2[%dma_start3A_81, %dma_start3A_82] : memref<4096x128xf32, #tpu.memory_space<hbm>> -> memref<4096x128xf32, #tpu.memory_space<hbm>>
        tpu.enqueue_indirect_dma source(%dma_start3A_83 : memref<4096x128xf32, #tpu.memory_space<hbm>>) target(%arg8 : memref<128x128xf32, #tpu.memory_space<vmem>>) offsets(%dma_start3A_80 : memref<128xi32, #tpu.memory_space<vmem>>) semaphore(%arg11 : memref<!tpu.dma_semaphore, #tpu.memory_space<semaphore_mem>>)
      } else {
      }
      %add3A_65 = arith.constant 1 : i32
      %add3A_66 = arith.addi %mul3A_26, %add3A_65 : i32
      %lt3A_67 = arith.constant 8 : i32
      %lt3A_68 = arith.cmpi slt, %add3A_66, %lt3A_67 : i32
      %convert_element_type3A_69 = arith.extui %lt3A_68 : i1 to i32
      %cond3A_70 = arith.constant 0 : i32
      %cond3A_71 = arith.cmpi ne, %convert_element_type3A_69, %cond3A_70 : i32
      scf.if %cond3A_71 {
        %dma_wait3A_72 = arith.constant 1 : i32
        %dma_wait3A_73 = arith.constant 0 : i32
        %dma_wait3A_74 = tpu.memref_slice %arg7[%dma_wait3A_72, %dma_wait3A_73] : memref<2x128xi32, #tpu.memory_space<vmem>> -> memref<1x128xi32, #tpu.memory_space<vmem>>
        %dma_wait3A_75 = tpu.memref_squeeze %dma_wait3A_74 : memref<1x128xi32, #tpu.memory_space<vmem>> -> memref<128xi32, #tpu.memory_space<vmem>>
        %dma_wait3A_76 = arith.constant 0 : i32
        %dma_wait3A_77 = arith.constant 0 : i32
        %dma_wait3A_78 = tpu.memref_slice %arg10[%dma_wait3A_76, %dma_wait3A_77] : memref<1024x128xf32, #tpu.memory_space<vmem_shared>> -> memref<1024x128xf32, #tpu.memory_space<vmem_shared>>
        tpu.wait_indirect_dma semaphore(%arg14 : memref<!tpu.dma_semaphore, #tpu.memory_space<semaphore_mem>>) src(%arg9 : memref<128x128xf32, #tpu.memory_space<vmem>>) dst(%dma_wait3A_78 : memref<1024x128xf32, #tpu.memory_space<vmem_shared>>)
      } else {
      }
    }
    %scan3A_14 = arith.constant 4 : i32
    %barrier3A_15 = arith.constant 0 : index
    tpu.barrier barrier_id(%barrier3A_15)
    %mul3A_16 = arith.constant 64 : i32
    %mul3A_17 = arith.muli %arg1, %mul3A_16 : i32
    %mul3A_18 = arith.constant 64 : i32
    %mul3A_19 = arith.muli %arg1, %mul3A_18 : i32
    "tpu.region"() ({
      %run_scoped3A = tpu.sem_alloc : memref<!tpu.dma_semaphore, #tpu.memory_space<semaphore_mem>>
      %dma_start3A_20 = arith.constant 0 : i32
      %dma_start3A_21 = tpu.memref_slice %arg5[%arg0, %mul3A_19, %dma_start3A_20] : memref<2x1024x128xf32, #tpu.memory_space<hbm>> -> memref<1x64x128xf32, #tpu.memory_space<hbm>>
      %dma_start3A_22 = tpu.memref_squeeze %dma_start3A_21 : memref<1x64x128xf32, #tpu.memory_space<hbm>> -> memref<64x128xf32, #tpu.memory_space<hbm>>
      %dma_start3A_23 = arith.constant 0 : i32
      %dma_start3A_24 = tpu.memref_slice %arg10[%mul3A_17, %dma_start3A_23] : memref<1024x128xf32, #tpu.memory_space<vmem_shared>> -> memref<64x128xf32, #tpu.memory_space<vmem_shared>>
      tpu.enqueue_dma source(%dma_start3A_24 : memref<64x128xf32, #tpu.memory_space<vmem_shared>>) target(%dma_start3A_22 : memref<64x128xf32, #tpu.memory_space<hbm>>) target_semaphore(%run_scoped3A : memref<!tpu.dma_semaphore, #tpu.memory_space<semaphore_mem>>)
      %dma_wait3A = arith.constant 0 : i32
      %dma_wait3A_25 = tpu.memref_slice %arg5[%arg0, %mul3A_19, %dma_wait3A] : memref<2x1024x128xf32, #tpu.memory_space<hbm>> -> memref<1x64x128xf32, #tpu.memory_space<hbm>>
      %dma_wait3A_26 = tpu.memref_squeeze %dma_wait3A_25 : memref<1x64x128xf32, #tpu.memory_space<hbm>> -> memref<64x128xf32, #tpu.memory_space<hbm>>
      %dma_wait3A_27 = arith.constant 0 : i32
      %dma_wait3A_28 = tpu.memref_slice %arg10[%mul3A_17, %dma_wait3A_27] : memref<1024x128xf32, #tpu.memory_space<vmem_shared>> -> memref<64x128xf32, #tpu.memory_space<vmem_shared>>
      tpu.wait_dma2 semaphore(%run_scoped3A : memref<!tpu.dma_semaphore, #tpu.memory_space<semaphore_mem>>) src(%dma_wait3A_28 : memref<64x128xf32, #tpu.memory_space<vmem_shared>>) dst(%dma_wait3A_26 : memref<64x128xf32, #tpu.memory_space<hbm>>)
      tpu.yield
    }) : () -> ()
    return
  }
}

module attributes {stable_mosaic.version = 14 : i64} {
  func.func @_stage_m1_body(%arg0: i32, %arg1: memref<1000x128xf32, #tpu.memory_space<vmem>>, %arg2: memref<128x128xf32, #tpu.memory_space<vmem>>, %arg3: memref<1x128xf32, #tpu.memory_space<vmem>>, %arg4: memref<128x128xf32, #tpu.memory_space<vmem>>, %arg5: memref<1x128xf32, #tpu.memory_space<vmem>>, %arg6: memref<1000x128xf32, #tpu.memory_space<vmem>>) attributes {dimension_semantics = [#tpu.dimension_semantics<arbitrary>], iteration_bounds = array<i64: 10>, scalar_prefetch = 0 : i64, scratch_operands = 0 : i64, tpu.core_type = #tpu.core_type<tc>, window_params = [{transform_indices = @transform_0, window_bounds = array<i64: 1000, 128>}, {pipeline_mode = #tpu.pipeline_mode<synchronous>, transform_indices = @transform_1, window_bounds = array<i64: 128, 128>}, {pipeline_mode = #tpu.pipeline_mode<synchronous>, transform_indices = @transform_2, window_bounds = array<i64: 1, 128>}, {pipeline_mode = #tpu.pipeline_mode<synchronous>, transform_indices = @transform_3, window_bounds = array<i64: 128, 128>}, {pipeline_mode = #tpu.pipeline_mode<synchronous>, transform_indices = @transform_4, window_bounds = array<i64: 1, 128>}, {transform_indices = @transform_5, window_bounds = array<i64: 1000, 128>}]} {
    %get3A = arith.constant 0 : index
    %get3A_0 = arith.constant 0 : index
    %get3A_1 = vector.load %arg2[%get3A, %get3A_0] : memref<128x128xf32, #tpu.memory_space<vmem>>, vector<128x128xf32>
    %get3A_2 = arith.constant 0 : index
    %get3A_3 = arith.constant 0 : index
    %get3A_4 = vector.load %arg4[%get3A_2, %get3A_3] : memref<128x128xf32, #tpu.memory_space<vmem>>, vector<128x128xf32>
    %dot_general3A = arith.constant dense<0.000000e+00> : vector<128x128xf32>
    %dot_general3A_5 = tpu.matmul %get3A_1, %get3A_4, %dot_general3A {dimension_numbers = #tpu.dot_dimension_numbers<[1], [0], [0], [1], [0, 0, 1, 1], [], []>, precision = #tpu.contract_precision<fp32>, transpose_lhs_hint = false} : vector<128x128xf32>, vector<128x128xf32>, vector<128x128xf32> -> vector<128x128xf32>
    %get3A_6 = arith.constant 0 : index
    %get3A_7 = arith.constant 0 : index
    %get3A_8 = vector.load %arg3[%get3A_6, %get3A_7] : memref<1x128xf32, #tpu.memory_space<vmem>>, vector<1x128xf32>
    %get3A_9 = arith.constant 0 : index
    %get3A_10 = arith.constant 0 : index
    %get3A_11 = vector.load %arg4[%get3A_9, %get3A_10] : memref<128x128xf32, #tpu.memory_space<vmem>>, vector<128x128xf32>
    %dot_general3A_12 = arith.constant dense<0.000000e+00> : vector<1x128xf32>
    %dot_general3A_13 = tpu.matmul %get3A_8, %get3A_11, %dot_general3A_12 {dimension_numbers = #tpu.dot_dimension_numbers<[1], [0], [0], [1], [0, 0, 1, 1], [], []>, precision = #tpu.contract_precision<fp32>, transpose_lhs_hint = false} : vector<1x128xf32>, vector<128x128xf32>, vector<1x128xf32> -> vector<1x128xf32>
    %get3A_14 = arith.constant 0 : index
    %get3A_15 = arith.constant 0 : index
    %get3A_16 = vector.load %arg5[%get3A_14, %get3A_15] : memref<1x128xf32, #tpu.memory_space<vmem>>, vector<1x128xf32>
    %add3A = arith.addf %dot_general3A_13, %get3A_16 : vector<1x128xf32>
    %get3A_17 = arith.constant 0 : index
    %get3A_18 = arith.constant 0 : index
    %get3A_19 = vector.load %arg1[%get3A_17, %get3A_18] : memref<1000x128xf32, #tpu.memory_space<vmem>>, vector<1000x128xf32>
    %dot_general3A_20 = arith.constant dense<0.000000e+00> : vector<1000x128xf32>
    %dot_general3A_21 = tpu.matmul %get3A_19, %dot_general3A_5, %dot_general3A_20 {dimension_numbers = #tpu.dot_dimension_numbers<[1], [0], [0], [1], [0, 0, 1, 1], [], []>, precision = #tpu.contract_precision<fp32>, transpose_lhs_hint = false} : vector<1000x128xf32>, vector<128x128xf32>, vector<1000x128xf32> -> vector<1000x128xf32>
    %add3A_22 = vector.broadcast %add3A : vector<1x128xf32> to vector<1000x128xf32>
    %add3A_23 = arith.addf %dot_general3A_21, %add3A_22 : vector<1000x128xf32>
    %max3A = arith.constant 0.000000e+00 : f32
    %max3A_24 = vector.broadcast %max3A : f32 to vector<1000x128xf32>
    %max3A_25 = arith.maximumf %add3A_23, %max3A_24 : vector<1000x128xf32>
    %swap3A = arith.constant 0 : index
    %swap3A_26 = arith.constant 0 : index
    %swap3A_27 = vector.load %arg6[%swap3A, %swap3A_26] : memref<1000x128xf32, #tpu.memory_space<vmem>>, vector<1000x128xf32>
    tpu.vector_store %arg6[%swap3A, %swap3A_26], %max3A_25 {strides = array<i32>} : memref<1000x128xf32, #tpu.memory_space<vmem>>, vector<1000x128xf32>,
    return
  }
  func.func @transform_0(%arg0: i32) -> (i32, i32) {
    %c0_i32 = arith.constant 0 : i32
    %c0_i32_0 = arith.constant 0 : i32
    return %arg0, %c0_i32 : i32, i32
  }
  func.func @transform_1(%arg0: i32) -> (i32, i32) {
    %c0_i32 = arith.constant 0 : i32
    %c0_i32_0 = arith.constant 0 : i32
    %c0_i32_1 = arith.constant 0 : i32
    return %c0_i32, %c0_i32_0 : i32, i32
  }
  func.func @transform_2(%arg0: i32) -> (i32, i32) {
    %c0_i32 = arith.constant 0 : i32
    %c0_i32_0 = arith.constant 0 : i32
    %c0_i32_1 = arith.constant 0 : i32
    return %c0_i32, %c0_i32_0 : i32, i32
  }
  func.func @transform_3(%arg0: i32) -> (i32, i32) {
    %c0_i32 = arith.constant 0 : i32
    %c0_i32_0 = arith.constant 0 : i32
    %c0_i32_1 = arith.constant 0 : i32
    return %c0_i32, %c0_i32_0 : i32, i32
  }
  func.func @transform_4(%arg0: i32) -> (i32, i32) {
    %c0_i32 = arith.constant 0 : i32
    %c0_i32_0 = arith.constant 0 : i32
    %c0_i32_1 = arith.constant 0 : i32
    return %c0_i32, %c0_i32_0 : i32, i32
  }
  func.func @transform_5(%arg0: i32) -> (i32, i32) {
    %c0_i32 = arith.constant 0 : i32
    %c0_i32_0 = arith.constant 0 : i32
    return %arg0, %c0_i32 : i32, i32
  }
}

module attributes {stable_mosaic.version = 14 : i64} {
  func.func @_stage_h_body(%arg0: i32, %arg1: memref<512x128xf32, #tpu.memory_space<vmem>>, %arg2: memref<128x128xf32, #tpu.memory_space<vmem>>, %arg3: memref<1x128xf32, #tpu.memory_space<vmem>>, %arg4: memref<512x128xf32, #tpu.memory_space<vmem>>) attributes {dimension_semantics = [#tpu.dimension_semantics<arbitrary>], iteration_bounds = array<i64: 8>, scalar_prefetch = 0 : i64, scratch_operands = 0 : i64, tpu.core_type = #tpu.core_type<tc>, window_params = [{transform_indices = @transform_0, window_bounds = array<i64: 512, 128>}, {pipeline_mode = #tpu.pipeline_mode<synchronous>, transform_indices = @transform_1, window_bounds = array<i64: 128, 128>}, {pipeline_mode = #tpu.pipeline_mode<synchronous>, transform_indices = @transform_2, window_bounds = array<i64: 1, 128>}, {transform_indices = @transform_3, window_bounds = array<i64: 512, 128>}]} {
    %get3A = arith.constant 0 : index
    %get3A_0 = arith.constant 0 : index
    %get3A_1 = vector.load %arg1[%get3A, %get3A_0] : memref<512x128xf32, #tpu.memory_space<vmem>>, vector<512x128xf32>
    %get3A_2 = arith.constant 0 : index
    %get3A_3 = arith.constant 0 : index
    %get3A_4 = vector.load %arg2[%get3A_2, %get3A_3] : memref<128x128xf32, #tpu.memory_space<vmem>>, vector<128x128xf32>
    %dot_general3A = arith.constant dense<0.000000e+00> : vector<512x128xf32>
    %dot_general3A_5 = tpu.matmul %get3A_1, %get3A_4, %dot_general3A {dimension_numbers = #tpu.dot_dimension_numbers<[1], [0], [0], [1], [0, 0, 1, 1], [], []>, precision = #tpu.contract_precision<fp32>, transpose_lhs_hint = false} : vector<512x128xf32>, vector<128x128xf32>, vector<512x128xf32> -> vector<512x128xf32>
    %get3A_6 = arith.constant 0 : index
    %get3A_7 = arith.constant 0 : index
    %get3A_8 = vector.load %arg3[%get3A_6, %get3A_7] : memref<1x128xf32, #tpu.memory_space<vmem>>, vector<1x128xf32>
    %add3A = vector.broadcast %get3A_8 : vector<1x128xf32> to vector<512x128xf32>
    %add3A_9 = arith.addf %dot_general3A_5, %add3A : vector<512x128xf32>
    %swap3A = arith.constant 0 : index
    %swap3A_10 = arith.constant 0 : index
    %swap3A_11 = vector.load %arg4[%swap3A, %swap3A_10] : memref<512x128xf32, #tpu.memory_space<vmem>>, vector<512x128xf32>
    tpu.vector_store %arg4[%swap3A, %swap3A_10], %add3A_9 {strides = array<i32>} : memref<512x128xf32, #tpu.memory_space<vmem>>, vector<512x128xf32>,
    return
  }
  func.func @transform_0(%arg0: i32) -> (i32, i32) {
    %c0_i32 = arith.constant 0 : i32
    %c0_i32_0 = arith.constant 0 : i32
    return %arg0, %c0_i32 : i32, i32
  }
  func.func @transform_1(%arg0: i32) -> (i32, i32) {
    %c0_i32 = arith.constant 0 : i32
    %c0_i32_0 = arith.constant 0 : i32
    %c0_i32_1 = arith.constant 0 : i32
    return %c0_i32, %c0_i32_0 : i32, i32
  }
  func.func @transform_2(%arg0: i32) -> (i32, i32) {
    %c0_i32 = arith.constant 0 : i32
    %c0_i32_0 = arith.constant 0 : i32
    %c0_i32_1 = arith.constant 0 : i32
    return %c0_i32, %c0_i32_0 : i32, i32
  }
  func.func @transform_3(%arg0: i32) -> (i32, i32) {
    %c0_i32 = arith.constant 0 : i32
    %c0_i32_0 = arith.constant 0 : i32
    return %arg0, %c0_i32 : i32, i32
  }
}

module attributes {stable_mosaic.version = 14 : i64} {
  func.func @body(%arg0: i32, %arg1: memref<1x1x20000xi32, #tpu.memory_space<vmem>>, %arg2: memref<32x128xf32, #tpu.memory_space<vmem>>) attributes {dimension_semantics = [#tpu.dimension_semantics<arbitrary>], iteration_bounds = array<i64: 16>, scalar_prefetch = 0 : i64, scratch_operands = 0 : i64, tpu.core_type = #tpu.core_type<tc>, window_params = [{transform_indices = @transform_0, window_bounds = array<i64: 1, 1, 20000>}, {pipeline_mode = #tpu.pipeline_mode<synchronous>, transform_indices = @transform_1, window_bounds = array<i64: 32, 128>}]} {
    %get3A = arith.constant 0 : index
    %get3A_0 = arith.constant 0 : index
    %get3A_1 = arith.constant 0 : index
    %get3A_2 = vector.load %arg1[%get3A, %get3A_0, %get3A_1] : memref<1x1x20000xi32, #tpu.memory_space<vmem>>, vector<1x1x20000xi32>
    %squeeze3A = vector.shape_cast %get3A_2 : vector<1x1x20000xi32> to vector<1x20000xi32>
    %shift_right_logical3A = arith.constant 7 : i32
    %shift_right_logical3A_3 = vector.broadcast %shift_right_logical3A : i32 to vector<1x20000xi32>
    %shift_right_logical3A_4 = arith.shrui %squeeze3A, %shift_right_logical3A_3 : vector<1x20000xi32>
    %and3A = arith.constant 127 : i32
    %and3A_5 = vector.broadcast %and3A : i32 to vector<1x20000xi32>
    %and3A_6 = arith.andi %squeeze3A, %and3A_5 : vector<1x20000xi32>
    %iota3A = tpu.iota {dimensions = array<i32: 0>} : vector<32x20000xi32>
    %iota3A_7 = tpu.iota {dimensions = array<i32: 0>} : vector<128x20000xi32>
    %eq3A = vector.broadcast %shift_right_logical3A_4 : vector<1x20000xi32> to vector<32x20000xi32>
    %eq3A_8 = arith.cmpi eq, %iota3A, %eq3A : vector<32x20000xi32>
    %convert_element_type3A = arith.extui %eq3A_8 : vector<32x20000xi1> to vector<32x20000xi32>
    %convert_element_type3A_9 = arith.sitofp %convert_element_type3A : vector<32x20000xi32> to vector<32x20000xf32>
    %convert_element_type3A_10 = arith.truncf %convert_element_type3A_9 : vector<32x20000xf32> to vector<32x20000xbf16>
    %eq3A_11 = vector.broadcast %and3A_6 : vector<1x20000xi32> to vector<128x20000xi32>
    %eq3A_12 = arith.cmpi eq, %iota3A_7, %eq3A_11 : vector<128x20000xi32>
    %convert_element_type3A_13 = arith.extui %eq3A_12 : vector<128x20000xi1> to vector<128x20000xi32>
    %convert_element_type3A_14 = arith.sitofp %convert_element_type3A_13 : vector<128x20000xi32> to vector<128x20000xf32>
    %convert_element_type3A_15 = arith.truncf %convert_element_type3A_14 : vector<128x20000xf32> to vector<128x20000xbf16>
    %dot_general3A = arith.constant dense<0.000000e+00> : vector<32x128xf32>
    %dot_general3A_16 = tpu.matmul %convert_element_type3A_10, %convert_element_type3A_15, %dot_general3A {dimension_numbers = #tpu.dot_dimension_numbers<[1], [1], [0], [0], [0, 0, 1, 0], [], []>, transpose_lhs_hint = false} : vector<32x20000xbf16>, vector<128x20000xbf16>, vector<32x128xf32> -> vector<32x128xf32>
    %eq3A_17 = arith.constant 0 : i32
    %eq3A_18 = arith.cmpi eq, %arg0, %eq3A_17 : i32
    %convert_element_type3A_19 = arith.extui %eq3A_18 : i1 to i32
    %cond3A = arith.constant 0 : i32
    %cond3A_20 = arith.cmpi ne, %convert_element_type3A_19, %cond3A : i32
    scf.if %cond3A_20 {
      %swap3A = arith.constant 0 : index
      %swap3A_25 = arith.constant 0 : index
      %swap3A_26 = vector.load %arg2[%swap3A, %swap3A_25] : memref<32x128xf32, #tpu.memory_space<vmem>>, vector<32x128xf32>
      tpu.vector_store %arg2[%swap3A, %swap3A_25], %dot_general3A_16 {strides = array<i32>} : memref<32x128xf32, #tpu.memory_space<vmem>>, vector<32x128xf32>,
    } else {
    }
    %gt3A = arith.constant 0 : i32
    %gt3A_21 = arith.cmpi sgt, %arg0, %gt3A : i32
    %convert_element_type3A_22 = arith.extui %gt3A_21 : i1 to i32
    %cond3A_23 = arith.constant 0 : i32
    %cond3A_24 = arith.cmpi ne, %convert_element_type3A_22, %cond3A_23 : i32
    scf.if %cond3A_24 {
      %get3A_25 = arith.constant 0 : index
      %get3A_26 = arith.constant 0 : index
      %get3A_27 = vector.load %arg2[%get3A_25, %get3A_26] : memref<32x128xf32, #tpu.memory_space<vmem>>, vector<32x128xf32>
      %add3A = arith.addf %get3A_27, %dot_general3A_16 : vector<32x128xf32>
      %swap3A = arith.constant 0 : index
      %swap3A_28 = arith.constant 0 : index
      %swap3A_29 = vector.load %arg2[%swap3A, %swap3A_28] : memref<32x128xf32, #tpu.memory_space<vmem>>, vector<32x128xf32>
      tpu.vector_store %arg2[%swap3A, %swap3A_28], %add3A {strides = array<i32>} : memref<32x128xf32, #tpu.memory_space<vmem>>, vector<32x128xf32>,
    } else {
    }
    return
  }
  func.func @transform_0(%arg0: i32) -> (i32, i32, i32) {
    %c0_i32 = arith.constant 0 : i32
    %c0_i32_0 = arith.constant 0 : i32
    %c0_i32_1 = arith.constant 0 : i32
    return %arg0, %c0_i32, %c0_i32_0 : i32, i32, i32
  }
  func.func @transform_1(%arg0: i32) -> (i32, i32) {
    %c0_i32 = arith.constant 0 : i32
    %c0_i32_0 = arith.constant 0 : i32
    %c0_i32_1 = arith.constant 0 : i32
    return %c0_i32, %c0_i32_0 : i32, i32
  }
}

module attributes {stable_mosaic.version = 14 : i64} {
  func.func @_stage_c_body(%arg0: i32, %arg1: memref<512x128xf32, #tpu.memory_space<vmem>>, %arg2: memref<2x512x128xf32, #tpu.memory_space<vmem>>, %arg3: memref<1x1x512xf32, #tpu.memory_space<vmem>>, %arg4: memref<128x128xf32, #tpu.memory_space<vmem>>, %arg5: memref<128x128xf32, #tpu.memory_space<vmem>>, %arg6: memref<1x128xf32, #tpu.memory_space<vmem>>, %arg7: memref<128x128xf32, #tpu.memory_space<vmem>>, %arg8: memref<1x128xf32, #tpu.memory_space<vmem>>, %arg9: memref<512x128xf32, #tpu.memory_space<vmem>>, %arg10: memref<512x128xf32, #tpu.memory_space<vmem>>) attributes {dimension_semantics = [#tpu.dimension_semantics<arbitrary>], iteration_bounds = array<i64: 8>, scalar_prefetch = 0 : i64, scratch_operands = 0 : i64, tpu.core_type = #tpu.core_type<tc>, window_params = [{transform_indices = @transform_0, window_bounds = array<i64: 512, 128>}, {transform_indices = @transform_1, window_bounds = array<i64: 2, 512, 128>}, {transform_indices = @transform_2, window_bounds = array<i64: 1, 1, 512>}, {pipeline_mode = #tpu.pipeline_mode<synchronous>, transform_indices = @transform_3, window_bounds = array<i64: 128, 128>}, {pipeline_mode = #tpu.pipeline_mode<synchronous>, transform_indices = @transform_4, window_bounds = array<i64: 128, 128>}, {pipeline_mode = #tpu.pipeline_mode<synchronous>, transform_indices = @transform_5, window_bounds = array<i64: 1, 128>}, {pipeline_mode = #tpu.pipeline_mode<synchronous>, transform_indices = @transform_6, window_bounds = array<i64: 128, 128>}, {pipeline_mode = #tpu.pipeline_mode<synchronous>, transform_indices = @transform_7, window_bounds = array<i64: 1, 128>}, {transform_indices = @transform_8, window_bounds = array<i64: 512, 128>}, {transform_indices = @transform_9, window_bounds = array<i64: 512, 128>}]} {
    %get3A = arith.constant 0 : index
    %get3A_0 = arith.constant 0 : index
    %get3A_1 = arith.constant 0 : index
    %get3A_2 = vector.load %arg2[%get3A, %get3A_0, %get3A_1] : memref<2x512x128xf32, #tpu.memory_space<vmem>>, vector<2x512x128xf32>
    %get3A_3 = arith.constant 0 : index
    %get3A_4 = arith.constant 0 : index
    %get3A_5 = arith.constant 0 : index
    %get3A_6 = vector.load %arg3[%get3A_3, %get3A_4, %get3A_5] : memref<1x1x512xf32, #tpu.memory_space<vmem>>, vector<1x1x512xf32>
    %squeeze3A = vector.shape_cast %get3A_6 : vector<1x1x512xf32> to vector<512xf32>
    %slice3A = vector.extract_strided_slice %get3A_2 {offsets = [0, 0, 0], sizes = [1, 512, 128], strides = [1, 1, 1]} : vector<2x512x128xf32> to vector<1x512x128xf32>
    %squeeze3A_7 = vector.shape_cast %slice3A : vector<1x512x128xf32> to vector<512x128xf32>
    %slice3A_8 = vector.extract_strided_slice %get3A_2 {offsets = [1, 0, 0], sizes = [1, 512, 128], strides = [1, 1, 1]} : vector<2x512x128xf32> to vector<1x512x128xf32>
    %squeeze3A_9 = vector.shape_cast %slice3A_8 : vector<1x512x128xf32> to vector<512x128xf32>
    %add3A = arith.addf %squeeze3A_7, %squeeze3A_9 : vector<512x128xf32>
    %max3A = arith.constant 1.000000e+00 : f32
    %max3A_10 = vector.broadcast %max3A : f32 to vector<512xf32>
    %max3A_11 = arith.maximumf %squeeze3A, %max3A_10 : vector<512xf32>
    %broadcast_in_dim3A = vector.shape_cast %max3A_11 : vector<512xf32> to vector<512x1xf32>
    %div3A = vector.broadcast %broadcast_in_dim3A : vector<512x1xf32> to vector<512x128xf32>
    %div3A_12 = arith.divf %add3A, %div3A : vector<512x128xf32>
    %get3A_13 = arith.constant 0 : index
    %get3A_14 = arith.constant 0 : index
    %get3A_15 = vector.load %arg1[%get3A_13, %get3A_14] : memref<512x128xf32, #tpu.memory_space<vmem>>, vector<512x128xf32>
    %get3A_16 = arith.constant 0 : index
    %get3A_17 = arith.constant 0 : index
    %get3A_18 = vector.load %arg4[%get3A_16, %get3A_17] : memref<128x128xf32, #tpu.memory_space<vmem>>, vector<128x128xf32>
    %dot_general3A = arith.constant dense<0.000000e+00> : vector<512x128xf32>
    %dot_general3A_19 = tpu.matmul %get3A_15, %get3A_18, %dot_general3A {dimension_numbers = #tpu.dot_dimension_numbers<[1], [0], [0], [1], [0, 0, 1, 1], [], []>, precision = #tpu.contract_precision<fp32>, transpose_lhs_hint = false} : vector<512x128xf32>, vector<128x128xf32>, vector<512x128xf32> -> vector<512x128xf32>
    %get3A_20 = arith.constant 0 : index
    %get3A_21 = arith.constant 0 : index
    %get3A_22 = vector.load %arg5[%get3A_20, %get3A_21] : memref<128x128xf32, #tpu.memory_space<vmem>>, vector<128x128xf32>
    %dot_general3A_23 = arith.constant dense<0.000000e+00> : vector<512x128xf32>
    %dot_general3A_24 = tpu.matmul %div3A_12, %get3A_22, %dot_general3A_23 {dimension_numbers = #tpu.dot_dimension_numbers<[1], [0], [0], [1], [0, 0, 1, 1], [], []>, precision = #tpu.contract_precision<fp32>, transpose_lhs_hint = false} : vector<512x128xf32>, vector<128x128xf32>, vector<512x128xf32> -> vector<512x128xf32>
    %add3A_25 = arith.addf %dot_general3A_19, %dot_general3A_24 : vector<512x128xf32>
    %get3A_26 = arith.constant 0 : index
    %get3A_27 = arith.constant 0 : index
    %get3A_28 = vector.load %arg6[%get3A_26, %get3A_27] : memref<1x128xf32, #tpu.memory_space<vmem>>, vector<1x128xf32>
    %add3A_29 = vector.broadcast %get3A_28 : vector<1x128xf32> to vector<512x128xf32>
    %add3A_30 = arith.addf %add3A_25, %add3A_29 : vector<512x128xf32>
    %max3A_31 = arith.constant 0.000000e+00 : f32
    %max3A_32 = vector.broadcast %max3A_31 : f32 to vector<512x128xf32>
    %max3A_33 = arith.maximumf %add3A_30, %max3A_32 : vector<512x128xf32>
    %mul3A = arith.mulf %max3A_33, %max3A_33 : vector<512x128xf32>
    %reduce_sum3A = arith.constant dense<0.000000e+00> : vector<512xf32>
    %reduce_sum3A_34 = vector.multi_reduction <add>, %mul3A, %reduce_sum3A [1] : vector<512x128xf32> to vector<512xf32>
    %broadcast_in_dim3A_35 = vector.shape_cast %reduce_sum3A_34 : vector<512xf32> to vector<512x1xf32>
    %sqrt3A = math.sqrt %broadcast_in_dim3A_35 : vector<512x1xf32>
    %max3A_36 = arith.constant 9.99999996E-13 : f32
    %max3A_37 = vector.broadcast %max3A_36 : f32 to vector<512x1xf32>
    %max3A_38 = arith.maximumf %sqrt3A, %max3A_37 : vector<512x1xf32>
    %div3A_39 = vector.broadcast %max3A_38 : vector<512x1xf32> to vector<512x128xf32>
    %div3A_40 = arith.divf %max3A_33, %div3A_39 : vector<512x128xf32>
    %swap3A = arith.constant 0 : index
    %swap3A_41 = arith.constant 0 : index
    %swap3A_42 = vector.load %arg9[%swap3A, %swap3A_41] : memref<512x128xf32, #tpu.memory_space<vmem>>, vector<512x128xf32>
    tpu.vector_store %arg9[%swap3A, %swap3A_41], %div3A_40 {strides = array<i32>} : memref<512x128xf32, #tpu.memory_space<vmem>>, vector<512x128xf32>,
    %get3A_43 = arith.constant 0 : index
    %get3A_44 = arith.constant 0 : index
    %get3A_45 = vector.load %arg7[%get3A_43, %get3A_44] : memref<128x128xf32, #tpu.memory_space<vmem>>, vector<128x128xf32>
    %dot_general3A_46 = arith.constant dense<0.000000e+00> : vector<512x128xf32>
    %dot_general3A_47 = tpu.matmul %div3A_40, %get3A_45, %dot_general3A_46 {dimension_numbers = #tpu.dot_dimension_numbers<[1], [0], [0], [1], [0, 0, 1, 1], [], []>, precision = #tpu.contract_precision<fp32>, transpose_lhs_hint = false} : vector<512x128xf32>, vector<128x128xf32>, vector<512x128xf32> -> vector<512x128xf32>
    %get3A_48 = arith.constant 0 : index
    %get3A_49 = arith.constant 0 : index
    %get3A_50 = vector.load %arg8[%get3A_48, %get3A_49] : memref<1x128xf32, #tpu.memory_space<vmem>>, vector<1x128xf32>
    %add3A_51 = vector.broadcast %get3A_50 : vector<1x128xf32> to vector<512x128xf32>
    %add3A_52 = arith.addf %dot_general3A_47, %add3A_51 : vector<512x128xf32>
    %max3A_53 = arith.constant 0.000000e+00 : f32
    %max3A_54 = vector.broadcast %max3A_53 : f32 to vector<512x128xf32>
    %max3A_55 = arith.maximumf %add3A_52, %max3A_54 : vector<512x128xf32>
    %swap3A_56 = arith.constant 0 : index
    %swap3A_57 = arith.constant 0 : index
    %swap3A_58 = vector.load %arg10[%swap3A_56, %swap3A_57] : memref<512x128xf32, #tpu.memory_space<vmem>>, vector<512x128xf32>
    tpu.vector_store %arg10[%swap3A_56, %swap3A_57], %max3A_55 {strides = array<i32>} : memref<512x128xf32, #tpu.memory_space<vmem>>, vector<512x128xf32>,
    return
  }
  func.func @transform_0(%arg0: i32) -> (i32, i32) {
    %c0_i32 = arith.constant 0 : i32
    %c0_i32_0 = arith.constant 0 : i32
    return %arg0, %c0_i32 : i32, i32
  }
  func.func @transform_1(%arg0: i32) -> (i32, i32, i32) {
    %c0_i32 = arith.constant 0 : i32
    %c0_i32_0 = arith.constant 0 : i32
    %c0_i32_1 = arith.constant 0 : i32
    return %c0_i32, %arg0, %c0_i32_0 : i32, i32, i32
  }
  func.func @transform_2(%arg0: i32) -> (i32, i32, i32) {
    %c0_i32 = arith.constant 0 : i32
    %c0_i32_0 = arith.constant 0 : i32
    %c0_i32_1 = arith.constant 0 : i32
    return %arg0, %c0_i32, %c0_i32_0 : i32, i32, i32
  }
  func.func @transform_3(%arg0: i32) -> (i32, i32) {
    %c0_i32 = arith.constant 0 : i32
    %c0_i32_0 = arith.constant 0 : i32
    %c0_i32_1 = arith.constant 0 : i32
    return %c0_i32, %c0_i32_0 : i32, i32
  }
  func.func @transform_4(%arg0: i32) -> (i32, i32) {
    %c0_i32 = arith.constant 0 : i32
    %c0_i32_0 = arith.constant 0 : i32
    %c0_i32_1 = arith.constant 0 : i32
    return %c0_i32, %c0_i32_0 : i32, i32
  }
  func.func @transform_5(%arg0: i32) -> (i32, i32) {
    %c0_i32 = arith.constant 0 : i32
    %c0_i32_0 = arith.constant 0 : i32
    %c0_i32_1 = arith.constant 0 : i32
    return %c0_i32, %c0_i32_0 : i32, i32
  }
  func.func @transform_6(%arg0: i32) -> (i32, i32) {
    %c0_i32 = arith.constant 0 : i32
    %c0_i32_0 = arith.constant 0 : i32
    %c0_i32_1 = arith.constant 0 : i32
    return %c0_i32, %c0_i32_0 : i32, i32
  }
  func.func @transform_7(%arg0: i32) -> (i32, i32) {
    %c0_i32 = arith.constant 0 : i32
    %c0_i32_0 = arith.constant 0 : i32
    %c0_i32_1 = arith.constant 0 : i32
    return %c0_i32, %c0_i32_0 : i32, i32
  }
  func.func @transform_8(%arg0: i32) -> (i32, i32) {
    %c0_i32 = arith.constant 0 : i32
    %c0_i32_0 = arith.constant 0 : i32
    return %arg0, %c0_i32 : i32, i32
  }
  func.func @transform_9(%arg0: i32) -> (i32, i32) {
    %c0_i32 = arith.constant 0 : i32
    %c0_i32_0 = arith.constant 0 : i32
    return %arg0, %c0_i32 : i32, i32
  }
}

module attributes {stable_mosaic.version = 14 : i64} {
  func.func @body(%arg0: i32, %arg1: memref<1x1x8192xi32, #tpu.memory_space<vmem>>, %arg2: memref<8x128xf32, #tpu.memory_space<vmem>>) attributes {dimension_semantics = [#tpu.dimension_semantics<arbitrary>], iteration_bounds = array<i64: 4>, scalar_prefetch = 0 : i64, scratch_operands = 0 : i64, tpu.core_type = #tpu.core_type<tc>, window_params = [{transform_indices = @transform_0, window_bounds = array<i64: 1, 1, 8192>}, {pipeline_mode = #tpu.pipeline_mode<synchronous>, transform_indices = @transform_1, window_bounds = array<i64: 8, 128>}]} {
    %get3A = arith.constant 0 : index
    %get3A_0 = arith.constant 0 : index
    %get3A_1 = arith.constant 0 : index
    %get3A_2 = vector.load %arg1[%get3A, %get3A_0, %get3A_1] : memref<1x1x8192xi32, #tpu.memory_space<vmem>>, vector<1x1x8192xi32>
    %squeeze3A = vector.shape_cast %get3A_2 : vector<1x1x8192xi32> to vector<1x8192xi32>
    %shift_right_logical3A = arith.constant 7 : i32
    %shift_right_logical3A_3 = vector.broadcast %shift_right_logical3A : i32 to vector<1x8192xi32>
    %shift_right_logical3A_4 = arith.shrui %squeeze3A, %shift_right_logical3A_3 : vector<1x8192xi32>
    %and3A = arith.constant 127 : i32
    %and3A_5 = vector.broadcast %and3A : i32 to vector<1x8192xi32>
    %and3A_6 = arith.andi %squeeze3A, %and3A_5 : vector<1x8192xi32>
    %iota3A = tpu.iota {dimensions = array<i32: 0>} : vector<8x8192xi32>
    %iota3A_7 = tpu.iota {dimensions = array<i32: 0>} : vector<128x8192xi32>
    %eq3A = vector.broadcast %shift_right_logical3A_4 : vector<1x8192xi32> to vector<8x8192xi32>
    %eq3A_8 = arith.cmpi eq, %iota3A, %eq3A : vector<8x8192xi32>
    %convert_element_type3A = arith.extui %eq3A_8 : vector<8x8192xi1> to vector<8x8192xi32>
    %convert_element_type3A_9 = arith.sitofp %convert_element_type3A : vector<8x8192xi32> to vector<8x8192xf32>
    %convert_element_type3A_10 = arith.truncf %convert_element_type3A_9 : vector<8x8192xf32> to vector<8x8192xbf16>
    %eq3A_11 = vector.broadcast %and3A_6 : vector<1x8192xi32> to vector<128x8192xi32>
    %eq3A_12 = arith.cmpi eq, %iota3A_7, %eq3A_11 : vector<128x8192xi32>
    %convert_element_type3A_13 = arith.extui %eq3A_12 : vector<128x8192xi1> to vector<128x8192xi32>
    %convert_element_type3A_14 = arith.sitofp %convert_element_type3A_13 : vector<128x8192xi32> to vector<128x8192xf32>
    %convert_element_type3A_15 = arith.truncf %convert_element_type3A_14 : vector<128x8192xf32> to vector<128x8192xbf16>
    %dot_general3A = arith.constant dense<0.000000e+00> : vector<8x128xf32>
    %dot_general3A_16 = tpu.matmul %convert_element_type3A_10, %convert_element_type3A_15, %dot_general3A {dimension_numbers = #tpu.dot_dimension_numbers<[1], [1], [0], [0], [0, 0, 1, 0], [], []>, transpose_lhs_hint = false} : vector<8x8192xbf16>, vector<128x8192xbf16>, vector<8x128xf32> -> vector<8x128xf32>
    %eq3A_17 = arith.constant 0 : i32
    %eq3A_18 = arith.cmpi eq, %arg0, %eq3A_17 : i32
    %convert_element_type3A_19 = arith.extui %eq3A_18 : i1 to i32
    %cond3A = arith.constant 0 : i32
    %cond3A_20 = arith.cmpi ne, %convert_element_type3A_19, %cond3A : i32
    scf.if %cond3A_20 {
      %swap3A = arith.constant 0 : index
      %swap3A_25 = arith.constant 0 : index
      %swap3A_26 = vector.load %arg2[%swap3A, %swap3A_25] : memref<8x128xf32, #tpu.memory_space<vmem>>, vector<8x128xf32>
      tpu.vector_store %arg2[%swap3A, %swap3A_25], %dot_general3A_16 {strides = array<i32>} : memref<8x128xf32, #tpu.memory_space<vmem>>, vector<8x128xf32>,
    } else {
    }
    %gt3A = arith.constant 0 : i32
    %gt3A_21 = arith.cmpi sgt, %arg0, %gt3A : i32
    %convert_element_type3A_22 = arith.extui %gt3A_21 : i1 to i32
    %cond3A_23 = arith.constant 0 : i32
    %cond3A_24 = arith.cmpi ne, %convert_element_type3A_22, %cond3A_23 : i32
    scf.if %cond3A_24 {
      %get3A_25 = arith.constant 0 : index
      %get3A_26 = arith.constant 0 : index
      %get3A_27 = vector.load %arg2[%get3A_25, %get3A_26] : memref<8x128xf32, #tpu.memory_space<vmem>>, vector<8x128xf32>
      %add3A = arith.addf %get3A_27, %dot_general3A_16 : vector<8x128xf32>
      %swap3A = arith.constant 0 : index
      %swap3A_28 = arith.constant 0 : index
      %swap3A_29 = vector.load %arg2[%swap3A, %swap3A_28] : memref<8x128xf32, #tpu.memory_space<vmem>>, vector<8x128xf32>
      tpu.vector_store %arg2[%swap3A, %swap3A_28], %add3A {strides = array<i32>} : memref<8x128xf32, #tpu.memory_space<vmem>>, vector<8x128xf32>,
    } else {
    }
    return
  }
  func.func @transform_0(%arg0: i32) -> (i32, i32, i32) {
    %c0_i32 = arith.constant 0 : i32
    %c0_i32_0 = arith.constant 0 : i32
    %c0_i32_1 = arith.constant 0 : i32
    return %arg0, %c0_i32, %c0_i32_0 : i32, i32, i32
  }
  func.func @transform_1(%arg0: i32) -> (i32, i32) {
    %c0_i32 = arith.constant 0 : i32
    %c0_i32_0 = arith.constant 0 : i32
    %c0_i32_1 = arith.constant 0 : i32
    return %c0_i32, %c0_i32_0 : i32, i32
  }
}

module attributes {stable_mosaic.version = 14 : i64} {
  func.func @_stage_d_body(%arg0: i32, %arg1: memref<512x128xf32, #tpu.memory_space<vmem>>, %arg2: memref<512x128xf32, #tpu.memory_space<vmem>>, %arg3: memref<2x512x128xf32, #tpu.memory_space<vmem>>, %arg4: memref<1x1x512xf32, #tpu.memory_space<vmem>>, %arg5: memref<128x128xf32, #tpu.memory_space<vmem>>, %arg6: memref<128x128xf32, #tpu.memory_space<vmem>>, %arg7: memref<1x128xf32, #tpu.memory_space<vmem>>, %arg8: memref<512x128xf32, #tpu.memory_space<vmem>>) attributes {dimension_semantics = [#tpu.dimension_semantics<arbitrary>], iteration_bounds = array<i64: 2>, scalar_prefetch = 0 : i64, scratch_operands = 0 : i64, tpu.core_type = #tpu.core_type<tc>, window_params = [{transform_indices = @transform_0, window_bounds = array<i64: 512, 128>}, {transform_indices = @transform_1, window_bounds = array<i64: 512, 128>}, {transform_indices = @transform_2, window_bounds = array<i64: 2, 512, 128>}, {transform_indices = @transform_3, window_bounds = array<i64: 1, 1, 512>}, {pipeline_mode = #tpu.pipeline_mode<synchronous>, transform_indices = @transform_4, window_bounds = array<i64: 128, 128>}, {pipeline_mode = #tpu.pipeline_mode<synchronous>, transform_indices = @transform_5, window_bounds = array<i64: 128, 128>}, {pipeline_mode = #tpu.pipeline_mode<synchronous>, transform_indices = @transform_6, window_bounds = array<i64: 1, 128>}, {transform_indices = @transform_7, window_bounds = array<i64: 512, 128>}]} {
    %get3A = arith.constant 0 : index
    %get3A_0 = arith.constant 0 : index
    %get3A_1 = arith.constant 0 : index
    %get3A_2 = vector.load %arg3[%get3A, %get3A_0, %get3A_1] : memref<2x512x128xf32, #tpu.memory_space<vmem>>, vector<2x512x128xf32>
    %get3A_3 = arith.constant 0 : index
    %get3A_4 = arith.constant 0 : index
    %get3A_5 = arith.constant 0 : index
    %get3A_6 = vector.load %arg4[%get3A_3, %get3A_4, %get3A_5] : memref<1x1x512xf32, #tpu.memory_space<vmem>>, vector<1x1x512xf32>
    %squeeze3A = vector.shape_cast %get3A_6 : vector<1x1x512xf32> to vector<512xf32>
    %slice3A = vector.extract_strided_slice %get3A_2 {offsets = [0, 0, 0], sizes = [1, 512, 128], strides = [1, 1, 1]} : vector<2x512x128xf32> to vector<1x512x128xf32>
    %squeeze3A_7 = vector.shape_cast %slice3A : vector<1x512x128xf32> to vector<512x128xf32>
    %slice3A_8 = vector.extract_strided_slice %get3A_2 {offsets = [1, 0, 0], sizes = [1, 512, 128], strides = [1, 1, 1]} : vector<2x512x128xf32> to vector<1x512x128xf32>
    %squeeze3A_9 = vector.shape_cast %slice3A_8 : vector<1x512x128xf32> to vector<512x128xf32>
    %add3A = arith.addf %squeeze3A_7, %squeeze3A_9 : vector<512x128xf32>
    %max3A = arith.constant 1.000000e+00 : f32
    %max3A_10 = vector.broadcast %max3A : f32 to vector<512xf32>
    %max3A_11 = arith.maximumf %squeeze3A, %max3A_10 : vector<512xf32>
    %broadcast_in_dim3A = vector.shape_cast %max3A_11 : vector<512xf32> to vector<512x1xf32>
    %div3A = vector.broadcast %broadcast_in_dim3A : vector<512x1xf32> to vector<512x128xf32>
    %div3A_12 = arith.divf %add3A, %div3A : vector<512x128xf32>
    %get3A_13 = arith.constant 0 : index
    %get3A_14 = arith.constant 0 : index
    %get3A_15 = vector.load %arg2[%get3A_13, %get3A_14] : memref<512x128xf32, #tpu.memory_space<vmem>>, vector<512x128xf32>
    %get3A_16 = arith.constant 0 : index
    %get3A_17 = arith.constant 0 : index
    %get3A_18 = vector.load %arg5[%get3A_16, %get3A_17] : memref<128x128xf32, #tpu.memory_space<vmem>>, vector<128x128xf32>
    %dot_general3A = arith.constant dense<0.000000e+00> : vector<512x128xf32>
    %dot_general3A_19 = tpu.matmul %get3A_15, %get3A_18, %dot_general3A {dimension_numbers = #tpu.dot_dimension_numbers<[1], [0], [0], [1], [0, 0, 1, 1], [], []>, precision = #tpu.contract_precision<fp32>, transpose_lhs_hint = false} : vector<512x128xf32>, vector<128x128xf32>, vector<512x128xf32> -> vector<512x128xf32>
    %get3A_20 = arith.constant 0 : index
    %get3A_21 = arith.constant 0 : index
    %get3A_22 = vector.load %arg6[%get3A_20, %get3A_21] : memref<128x128xf32, #tpu.memory_space<vmem>>, vector<128x128xf32>
    %dot_general3A_23 = arith.constant dense<0.000000e+00> : vector<512x128xf32>
    %dot_general3A_24 = tpu.matmul %div3A_12, %get3A_22, %dot_general3A_23 {dimension_numbers = #tpu.dot_dimension_numbers<[1], [0], [0], [1], [0, 0, 1, 1], [], []>, precision = #tpu.contract_precision<fp32>, transpose_lhs_hint = false} : vector<512x128xf32>, vector<128x128xf32>, vector<512x128xf32> -> vector<512x128xf32>
    %add3A_25 = arith.addf %dot_general3A_19, %dot_general3A_24 : vector<512x128xf32>
    %get3A_26 = arith.constant 0 : index
    %get3A_27 = arith.constant 0 : index
    %get3A_28 = vector.load %arg7[%get3A_26, %get3A_27] : memref<1x128xf32, #tpu.memory_space<vmem>>, vector<1x128xf32>
    %add3A_29 = vector.broadcast %get3A_28 : vector<1x128xf32> to vector<512x128xf32>
    %add3A_30 = arith.addf %add3A_25, %add3A_29 : vector<512x128xf32>
    %get3A_31 = arith.constant 0 : index
    %get3A_32 = arith.constant 0 : index
    %get3A_33 = vector.load %arg1[%get3A_31, %get3A_32] : memref<512x128xf32, #tpu.memory_space<vmem>>, vector<512x128xf32>
    %max3A_34 = arith.constant 0.000000e+00 : f32
    %max3A_35 = vector.broadcast %max3A_34 : f32 to vector<512x128xf32>
    %max3A_36 = arith.maximumf %add3A_30, %max3A_35 : vector<512x128xf32>
    %mul3A = arith.mulf %max3A_36, %max3A_36 : vector<512x128xf32>
    %reduce_sum3A = arith.constant dense<0.000000e+00> : vector<512xf32>
    %reduce_sum3A_37 = vector.multi_reduction <add>, %mul3A, %reduce_sum3A [1] : vector<512x128xf32> to vector<512xf32>
    %broadcast_in_dim3A_38 = vector.shape_cast %reduce_sum3A_37 : vector<512xf32> to vector<512x1xf32>
    %sqrt3A = math.sqrt %broadcast_in_dim3A_38 : vector<512x1xf32>
    %max3A_39 = arith.constant 9.99999996E-13 : f32
    %max3A_40 = vector.broadcast %max3A_39 : f32 to vector<512x1xf32>
    %max3A_41 = arith.maximumf %sqrt3A, %max3A_40 : vector<512x1xf32>
    %div3A_42 = vector.broadcast %max3A_41 : vector<512x1xf32> to vector<512x128xf32>
    %div3A_43 = arith.divf %max3A_36, %div3A_42 : vector<512x128xf32>
    %add3A_44 = arith.addf %get3A_33, %div3A_43 : vector<512x128xf32>
    %swap3A = arith.constant 0 : index
    %swap3A_45 = arith.constant 0 : index
    %swap3A_46 = vector.load %arg8[%swap3A, %swap3A_45] : memref<512x128xf32, #tpu.memory_space<vmem>>, vector<512x128xf32>
    tpu.vector_store %arg8[%swap3A, %swap3A_45], %add3A_44 {strides = array<i32>} : memref<512x128xf32, #tpu.memory_space<vmem>>, vector<512x128xf32>,
    return
  }
  func.func @transform_0(%arg0: i32) -> (i32, i32) {
    %c0_i32 = arith.constant 0 : i32
    %c0_i32_0 = arith.constant 0 : i32
    return %arg0, %c0_i32 : i32, i32
  }
  func.func @transform_1(%arg0: i32) -> (i32, i32) {
    %c0_i32 = arith.constant 0 : i32
    %c0_i32_0 = arith.constant 0 : i32
    return %arg0, %c0_i32 : i32, i32
  }
  func.func @transform_2(%arg0: i32) -> (i32, i32, i32) {
    %c0_i32 = arith.constant 0 : i32
    %c0_i32_0 = arith.constant 0 : i32
    %c0_i32_1 = arith.constant 0 : i32
    return %c0_i32, %arg0, %c0_i32_0 : i32, i32, i32
  }
  func.func @transform_3(%arg0: i32) -> (i32, i32, i32) {
    %c0_i32 = arith.constant 0 : i32
    %c0_i32_0 = arith.constant 0 : i32
    %c0_i32_1 = arith.constant 0 : i32
    return %arg0, %c0_i32, %c0_i32_0 : i32, i32, i32
  }
  func.func @transform_4(%arg0: i32) -> (i32, i32) {
    %c0_i32 = arith.constant 0 : i32
    %c0_i32_0 = arith.constant 0 : i32
    %c0_i32_1 = arith.constant 0 : i32
    return %c0_i32, %c0_i32_0 : i32, i32
  }
  func.func @transform_5(%arg0: i32) -> (i32, i32) {
    %c0_i32 = arith.constant 0 : i32
    %c0_i32_0 = arith.constant 0 : i32
    %c0_i32_1 = arith.constant 0 : i32
    return %c0_i32, %c0_i32_0 : i32, i32
  }
  func.func @transform_6(%arg0: i32) -> (i32, i32) {
    %c0_i32 = arith.constant 0 : i32
    %c0_i32_0 = arith.constant 0 : i32
    %c0_i32_1 = arith.constant 0 : i32
    return %c0_i32, %c0_i32_0 : i32, i32
  }
  func.func @transform_7(%arg0: i32) -> (i32, i32) {
    %c0_i32 = arith.constant 0 : i32
    %c0_i32_0 = arith.constant 0 : i32
    return %arg0, %c0_i32 : i32, i32
  }
}

</mosaic_0001>

<sc_bundles>
// kernel: kernel.10.cloned.1.call-start
scs
__scs_entry_jumppad:
0x0: {  	(pc) =	sbr.rel $0x88, $3  }
0x1: {  	(tag) =	ssettag $0x0;
	lr =	simm.s32 $0x1  }
0x2: {  	[smem:$0x3F92] =	sst lr;
	_ =	strace $0xD0000000  }
0x3: {  	_ = 	snop  }
0x4: {  	_ = 	snop  }
0x5: {  	_ = 	snop  }
0x6: {  	_ = 	snop  }
0x7: {  	_ = 	snop  }
__scs_overlays_trampoline_lowered:
0x8: {  	[smem:$0x3FA1] =	sst s0  }
0x9: {  	[smem:$0x3FA2] =	sst s1  }
0xa: {  	[smem:$0x3FA3] =	sst s2  }
0xb: {  	[smem:$0x3FA4] =	sst s3  }
0xc: {  	[smem:$0x3FA5] =	sst s4  }
0xd: {  	[smem:$0x3FA6] =	sst s5  }
0xe: {  	[smem:$0x3FA7] =	sst s6  }
0xf: {  	[smem:$0x3FA8] =	sst s7  }
0x10: {  	[smem:$0x3FA9] =	sst s8  }
0x11: {  	[smem:$0x3FAA] =	sst s9;
	s0 =	simm.s32 @!p0 $0x0  }
0x12: {  	s1 =	sld [smem:$0x3F90];
	s0 =	simm.s32 @p0 $0x1  }
0x13: {  	[smem:$0x3FAB] =	sst s0;
	s0 =	simm.s32 @!p1 $0x0  }
0x14: {  	s2 =	sld [smem:$0x3F8F];
	s0 =	simm.s32 @p1 $0x1  }
0x15: {  	[smem:$0x3FAC] =	sst s0;
	s0 =	simm.s32 @!p2 $0x0  }
0x16: {  	s3 =	sld [smem:$0x3FDB];
	s0 =	simm.s32 @p2 $0x1  }
0x17: {  	s4 =	simm.s32 $0x1BF5;
	[smem:$0x3FAE] =	sst s0  }
0x18: {  	s0 =	sld [smem:$0x3F91];
	_ =	swait.ge [sflag:s4], $0x0  }
0x19: {  	s7 =	sld [smem:$0x3F92]  }
0x1a: {  	s8 =	sadd.s32 $0xFFFFE003, lr  }
0x1b: {  	s9 =	sadd.s32 $0xFFFFFEF7, lr;
	s5 =	simm.s32 $0xFFFFFFFF;
	p2 =	slt.u32 s8, $0xFFFFF086  }
0x1c: {  	p1 =	slt.u32 s9, $0xF7A;
	s5 =	simm.s32 @!p2 $0x0  }
0x1d: {  	s5 =	simm.s32 @p1 $0x1;
	p0 =	seq.s32 s7, s2  }
0x1e: {  	s7 =	smul.u32 @!p0 $0xF7A, s2;
	p2 =	seq.s32 @!p0 s5, $0x0  }
0x1f: {  	s9 =	smul.u32 $0xF7A, s1;
	s8 =	simm.s32 @!p0 $0x1BF5;
	p2 =	por !p2, p0  }
0x20: {  	[sflag:s8] =	ssyncset.s32 @!p0 $0xFFFFF086;
	s6 =	sadd.s32 @!p0 s3, s7;
	s7 =	simm.s32 @!p0 $0x108  }
0x21: {  	s3 =	sadd.s32 s3, s9;
	s6 =	sadd.s32 @!p0 $0x88, s6;
	s7 =	simm.s32 @p2 $0x1082  }
0x22: {  	[simem:s7], [sflag:s8] =	dma.local @!p0 [hbm:s6], $0xF7A  }
0x23: {  	s9 =	sor.u32 $0xD0000000, s2;
	s6 =	simm.s32 $0x108;
	_ =	swait.ge @!p0 [sflag:s8], $0x0  }
0x24: {  	s3 =	sadd.s32 $0x88, s3;
	s6 =	simm.s32 @!p1 $0x1082;
	[sflag:s4] =	ssyncset.s32 $0xFFFFF086  }
0x25: {  	[simem:s6], [sflag:s4] =	dma.local [hbm:s3], $0xF7A  }
0x26: {  	[smem:$0x3F92] =	sst s1;
	(tag) =	ssettag s2;
	_ =	strace s9  }
0x27: {  	s1 =	sld [smem:$0x3FA2]  }
0x28: {  	s2 =	sld [smem:$0x3FA3]  }
0x29: {  	s4 =	sld [smem:$0x3FA5]  }
0x2a: {  	p0 =	seq.s32 s5, $0x0;
	s5 =	sld [smem:$0x3FA6]  }
0x2b: {  	s6 =	sld [smem:$0x3FA7]  }
0x2c: {  	s7 =	sld [smem:$0x3FA8]  }
0x2d: {  	s3 =	simm.s32 $0x108;
	s8 =	sld [smem:$0x3FA9]  }
0x2e: {  	s3 =	simm.s32 @!p0 $0x1082;
	s9 =	sld [smem:$0x3FAA]  }
0x2f: {  	lr =	sadd.s32 s0, s3;
	s0 =	sld [smem:$0x3FA1]  }
0x30: {  	s3 =	sld [smem:$0x3FA4]  }
0x31: {  	[smem:$0x3FAD] =	sst s10  }
0x32: {  	s10 =	sld [smem:$0x3FAB];
	_ =	sdelay $0x3  }
0x33: {  	p0 =	seq.s32 s10, $0x1;
	s10 =	sld [smem:$0x3FAD];
	_ =	sdelay $0x3  }
0x34: {  	[smem:$0x3FAD] =	sst s10  }
0x35: {  	s10 =	sld [smem:$0x3FAC];
	_ =	sdelay $0x3  }
0x36: {  	p1 =	seq.s32 s10, $0x1;
	s10 =	sld [smem:$0x3FAD];
	_ =	sdelay $0x3  }
0x37: {  	[smem:$0x3FAD] =	sst s10  }
0x38: {  	s10 =	sld [smem:$0x3FAE]  }
0x39: {  	_ = 	snop;
	(pc) =	sbr.ind lr, $3  }
0x3a: {  	_ = 	snop  }
0x3b: {  	_ = 	snop  }
0x3c: {  	p2 =	seq.s32 s10, $0x1;
	s10 =	sld [smem:$0x3FAD]  }
0x3d: {  	_ =	shalt  }
0x3e: {  	_ =	shalt  }
0x3f: {  	_ =	shalt  }
0x40: {  	_ =	shalt  }
0x41: {  	_ =	shalt  }
0x42: {  	_ =	shalt  }
0x43: {  	_ =	shalt  }
0x44: {  	_ =	shalt  }
0x45: {  	_ =	shalt  }
0x46: {  	_ =	shalt  }
0x47: {  	_ =	shalt  }
0x48: {  	_ =	shalt  }
0x49: {  	_ =	shalt  }
0x4a: {  	_ =	shalt  }
0x4b: {  	_ =	shalt  }
0x4c: {  	_ =	shalt  }
0x4d: {  	_ =	shalt  }
0x4e: {  	_ =	shalt  }
0x4f: {  	_ =	shalt  }
0x50: {  	_ =	shalt  }
0x51: {  	_ =	shalt  }
0x52: {  	_ =	shalt  }
0x53: {  	_ =	shalt  }
0x54: {  	_ =	shalt  }
0x55: {  	_ =	shalt  }
0x56: {  	_ =	shalt  }
0x57: {  	_ =	shalt  }
0x58: {  	_ =	shalt  }
0x59: {  	_ =	shalt  }
0x5a: {  	_ =	shalt  }
0x5b: {  	_ =	shalt  }
0x5c: {  	_ =	shalt  }
0x5d: {  	_ =	shalt  }
0x5e: {  	_ =	shalt  }
0x5f: {  	_ =	shalt  }
0x60: {  	_ =	shalt  }
0x61: {  	_ =	shalt  }
0x62: {  	_ =	shalt  }
0x63: {  	_ =	shalt  }
0x64: {  	_ =	shalt  }
0x65: {  	_ =	shalt  }
0x66: {  	_ =	shalt  }
0x67: {  	_ =	shalt  }
0x68: {  	_ =	shalt  }
0x69: {  	_ =	shalt  }
0x6a: {  	_ =	shalt  }
0x6b: {  	_ =	shalt  }
0x6c: {  	_ =	shalt  }
0x6d: {  	_ =	shalt  }
0x6e: {  	_ =	shalt  }
0x6f: {  	_ =	shalt  }
0x70: {  	_ =	shalt  }
0x71: {  	_ =	shalt  }
0x72: {  	_ =	shalt  }
0x73: {  	_ =	shalt  }
0x74: {  	_ =	shalt  }
0x75: {  	_ =	shalt  }
0x76: {  	_ =	shalt  }
0x77: {  	_ =	shalt  }
0x78: {  	_ =	shalt  }
0x79: {  	_ =	shalt  }
0x7a: {  	_ =	shalt  }
0x7b: {  	_ =	shalt  }
0x7c: {  	_ =	shalt  }
0x7d: {  	_ =	shalt  }
0x7e: {  	_ =	shalt  }
0x7f: {  	_ =	shalt  }
0x80: {  	_ =	shalt  }
0x81: {  	_ =	shalt  }
0x82: {  	_ =	shalt  }
0x83: {  	_ =	shalt  }
0x84: {  	_ =	shalt  }
0x85: {  	_ =	shalt  }
0x86: {  	_ =	shalt  }
0x87: {  	_ =	shalt  }
.Lfunc_end0:
.L_simem_size_0:
called_computation_lowered:
.L_overlay_start_0:
0x88: {  	s2 =	sld [smem:$0x3FD9]  }
0x89: {  	s3 =	sld [smem:$0x3FFE];
	_ =	sdelay $0x1  }
0x8a: {  	s1 =	srdreg.scid  }
0x8b: {  	s0 =	sand.u32 $0x1, s1  }
0x8c: {  	s16 =	sshll.u32 s0, $0xA;
	s2 =	sadd.s32 s3, s2  }
0x8d: {  	s2 =	sadd.s32 s2, s16  }
0x8e: {  	[smem:$0x3FB9] =	sst s2  }
0x8f: {  	_ = 	snop  }
0x90: {  	(tm) =	ssettm $0x1  }
0x91: {  	s17 =	sld [smem:$0x3FFB];
	_ =	sdelay $0x3  }
0x92: {  	_ =	strace s17  }
0x93: {  	s2 =	sld [smem:$0x3FFC];
	_ =	sdelay $0x3  }
0x94: {  	_ =	strace s2  }
0x95: {  	s2 =	sld [smem:$0x3FFD];
	_ =	sdelay $0x3  }
0x96: {  	_ =	strace s2  }
0x97: {  	_ =	strace $0x8FFFFFFF  }
0x98: {  	s18 =	sld [smem:$0x3FDB];
	_ =	sdelay $0x1  }
0x99: {  	s19 =	simm.s32 $_scs_section_size  }
0x9a: {  	s4 =	simm.s32 $_size__tile_overlayer_lowered;
	s5 =	simm.s32 $_tile_overlayer_lowered  }
0x9b: {  	s22 =	simm.s32 $0x1BFF;
	s21 =	sshll.u32 s5, $0x1;
	s2 =	sadd.s32 s19, s18  }
0x9c: {  	s6 =	simm.s32 $0x0;
	s20 =	sshll.u32 s4, $0x1;
	s4 =	sadd.s32 s21, s2  }
0x9d: {  	[timem:s6], [sflag:s22] =	dma.local [hbm:s4], s20  }
0x9e: {  	_ =	swait.ge [sflag:s22], s20  }
0x9f: {  	s3 =	ssub.s32 $0x0, s20;
	[sflag:s22] =	ssyncset.done $0x0  }
0xa0: {  	[sflag:s22] =	ssyncadd.s32 s3;
	_ =	sdelay $0x1  }
0xa1: {  	s23 =	simm.s32 $0x1B8B  }
0xa2: {  	_ =	swait.ge [sflag:s23], $0x1  }
0xa3: {  	[sflag:s23] =	ssyncset.done $0x0  }
0xa4: {  	s25 =	simm.s32 $0x1B8E;
	s24 =	sld [smem:$0x3FFE];
	[sflag:s23] =	ssyncadd.s32 $0xFFFFFFFF  }
0xa5: {  	s26 =	simm.s32 $execute0_lowered;
	[smem:$0x3FD2] =	sst s25  }
0xa6: {  	s4 =	sshll.u32 s26, $0x1;
	_ =	strace $0x80000046;
	[dreg:$0x1] =	wrdreg $0xFFFFFFFF  }
0xa7: {  	s28 =	simm.s32 $_size_execute0_lowered;
	s2 =	sadd.s32 s2, s4;
	[dreg:$0x0] =	wrdreg $0x0  }
0xa8: {  	s4 =	sshll.u32 s28, $0x1;
	[dreg:$0x2] =	wrdreg s2  }
0xa9: {  	[dreg:$0x3] =	wrdreg s4  }
0xaa: {  	[dreg:$0x4] =	wrdreg $0xC0  }
0xab: {  	_ =	task [dreg:s6], $0x5FFFF  }
0xac: {  	[dreg:$0x1] =	wrdreg $0xFFFFFFFF  }
0xad: {  	[dreg:$0x0] =	wrdreg $0x60  }
0xae: {  	[dreg:$0x2] =	wrdreg s24  }
0xaf: {  	[dreg:$0x3] =	wrdreg $0x82000  }
0xb0: {  	[dreg:$0x4] =	wrdreg $0x9  }
0xb1: {  	_ =	task.clear_ibuf [dreg:s6], $0x5FFFF;
	_ =	strace $0x90000046  }
0xb2: {  	s29 =	simm.s32 $0x9;
	_ =	strace $0x80000048  }
0xb3: {  	_ =	swait.ge [sflag:s29], $0x1  }
0xb4: {  	[sflag:s29] =	ssyncadd.s32 $0xFFFFFFFF  }
0xb5: {  	_ =	strace $0x90000048  }
0xb6: {  	_ =	sfence  }
0xb7: {  	s30 =	sld [smem:$0x0];
	_ =	sdelay $0x2  }
0xb8: {  	s31 =	sshll.u32 s1, $0xD;
	s1 =	sshrl.u32 s1, $0x2  }
0xb9: {  	s3 =	sand.u32 $0x4000, s31;
	s1 =	sadd.s32 s1, s30  }
0xba: {  	s0 =	sor.u32 s3, s0;
	s1 =	sshll.u32 s1, $0x11  }
0xbb: {  	s0 =	sor.u32 s1, s0  }
0xbc: {  	s0 =	sadd.s32 $0x8F2B, s0  }
0xbd: {  	[sflag:s0] =	ssyncadd.remote.s32 $0x1  }
0xbe: {  	_ =	sfence.sel $0xFFFF  }
0xbf: {  	[dreg:$0x0] =	wrdreg $0xFFFFFFFF;
	(pc) =	sbr.abs _section_cstart, $3  }
0xc0: {  	[dreg:$0x1] =	wrdreg $0xFFFFFFFF  }
0xc1: {  	_ =	task.clear_ibuf [dreg:s6], $0x2FFFF;
	_ =	strace $0x9FFFFFFF  }
0xc2: {  	(tm) =	ssettm $0x7FFFFFFF  }
0xc3: {  	_ =	shalt  }
tec
execute0_lowered:
.L_overlay_start_1:
0x0: {  	(tag) =	ssettag $0x1  }
0x1: {  	s6 =	rddreg [dreg:$0x0]  }
0x2: {  	s1 =	rddreg [dreg:$0x1]  }
0x3: {  	s0 =	rddreg [dreg:$0x2];
	s2 =	simm.s32 $0x0;
	s4 =	srdreg.scid  }
0x4: {  	s16 =	simm.s32 $0x80;
	s17 =	simm.s32 $0x200;
	s18 =	simm.s32 $0x100  }
0x5: {  	s19 =	simm.s32 $0x4200;
	s20 =	simm.s32 $0x1;
	s21 =	simm.s32 $0x2  }
0x6: {  	s22 =	simm.s32 $0x180;
	s23 =	simm.s32 $0x3;
	[smem:$0x7FF] =	sst s2  }
0x7: {  	s3 =	sadd.s32 $0x17200, s6;
	s12 =	sadd.s32 $0x3800, s6;
	s5 =	sadd.s32 $0x3E400, s6  }
0x8: {  	s8 =	sand.u32 $0x1, s4;
	s4 =	stileid.u32;
	_ =	strace $0x80000047  }
0x9: {  	s7 =	ssub.s32 $0x2, s8;
	s9 =	sshll.u32 s8, $0x4;
	s10 =	sshll.u32 s4, $0xC  }
0xa: {  	s29 =	sshll.u32 s4, $0xF;
	s30 =	sshll.u32 s4, $0x6;
	s13 =	smul.u32 $0x4E0, s8  }
0xb: {  	s31 =	smul.u32 $0x4E, s4;
	s15 =	sshll.u32 s4, $0x5;
	s8 =	sshll.u32 s8, $0x10  }
0xc: {  	s11 =	sshrl.u32 s7, $0x1;
	s25 =	sor.u32 s4, s9;
	s24 =	sadd.s32 s10, s6  }
0xd: {  	s14 =	sadd.s32 s29, s1;
	s6 =	sor.u32 $0x1C05, s30;
	s15 =	sadd.s32 s15, s12  }
0xe: {  	s26 =	ssub.s32 s7, s11;
	s28 =	smul.u32 $0x9C0, s25;
	s9 =	sadd.s32 s8, s24  }
0xf: {  	s11 =	sadd.s32 s31, s13;
	s8 =	sadd.s32 $0x13800, s15;
	s14 =	sshrl.u32 s14, $0x3  }
0x10: {  	s15 =	simm.s32 $0x5;
	s24 =	simm.s32 $0x4;
	p0 =	sgt.u32 s25, $0x3  }
0x11: {  	s25 =	simm.s32 $0x0;
	s9 =	sadd.s32 $0x3F400, s9;
	s13 =	sshll.u32 s11, $0x5  }
0x12: {  	s10 =	smax.u32 s26, $0x1;
	s7 =	sadd.s32 s12, s28;
	s13 =	sadd.s32 s13, s12  }
0x13: {  	s11 =	sadd.s32 $0x9A0, s7;
	s12 =	sadd.s32 $0x40, s13;
	s13 =	sadd.s32 $0x20, s13  }
.LBB2_1:
0x14: {  	[spmem:s14], [sflag:s6] =	dma.local [hbm:s5], $0x1000  }
0x15: {  	_ =	swait.ge [sflag:s15], $0x1000  }
0x16: {  	[sflag:s15] =	ssyncset.done $0x0  }
0x17: {  	[sflag:s15] =	ssyncadd.s32 $0xFFFFF000  }
0x18: {  	[bflag:$0x0] =	sbarrier.arrive $0xFFFF  }
0x19: {  	[tilespmem:s2], [sflag:$0x5] =	stream.linear.gather [hbm4b:s7+s2], $0x100, $0x38;
	[tilespmem:$0x10200] =	vst v63  }
0x1a: {  	_ =	swait.ge [sflag:s15], $0x100  }
0x1b: {  	[sflag:s15] =	ssyncset.done $0x0  }
0x1c: {  	[sflag:s15] =	ssyncadd.s32 $0xFFFFFF00  }
0x1d: {  	[tilespmem:s17], [sflag:$0x1] =	stream.indirect.gather [hbm4b:s3+s16], $0x80, s2, s16, $0xb8;
	[tilespmem:$0x10200] =	vst v63  }
0x1e: {  	s26 =	sadd.s32 $0x0, s13  }
0x1f: {  	[tilespmem:s18], [sflag:$0x5] =	stream.linear.gather [hbm4b:s26+s2], $0x100, $0x38;
	[tilespmem:$0x10200] =	vst v63  }
0x20: {  	_ =	swait.ge [sflag:s15], $0x100  }
0x21: {  	[sflag:s15] =	ssyncset.done $0x0  }
0x22: {  	[sflag:s15] =	ssyncadd.s32 $0xFFFFFF00  }
0x23: {  	[tilespmem:s19], [sflag:$0x2] =	stream.indirect.gather [hbm4b:s3+s16], $0x80, s18, s16, $0xb8;
	[tilespmem:$0x10200] =	vst v63  }
0x24: {  	_ =	swait.ge [sflag:s20], $0x4000  }
0x25: {  	[sflag:s20] =	ssyncset.done $0x0  }
0x26: {  	[sflag:s20] =	ssyncadd.s32 $0xFFFFC000  }
0x27: {  	[spmem:s1] =	stream.indirect.scatter.add.f32 [tilespmem:s17], [sflag:$0x3], $0x80, s16, s16, $0xb8;
	[tilespmem:$0x10200] =	vst v63  }
0x28: {  	_ =	swait.ge [sflag:s21], $0x4000  }
0x29: {  	[sflag:s21] =	ssyncset.done $0x0  }
0x2a: {  	[sflag:s21] =	ssyncadd.s32 $0xFFFFC000  }
0x2b: {  	[spmem:s1] =	stream.indirect.scatter.add.f32 [tilespmem:s19], [sflag:$0x4], $0x80, s22, s16, $0xb8;
	[tilespmem:$0x10200] =	vst v63  }
0x2c: {  	_ =	swait.ge [sflag:s23], $0x4000  }
0x2d: {  	[sflag:s23] =	ssyncset.done $0x0  }
0x2e: {  	s31 =	sadd.s32 $0x0, s12;
	[sflag:s23] =	ssyncadd.s32 $0xFFFFC000  }
0x2f: {  	[tilespmem:s2], [sflag:$0x5] =	stream.linear.gather [hbm4b:s31+s2], $0x100, $0x38;
	[tilespmem:$0x10200] =	vst v63  }
0x30: {  	_ =	swait.ge [sflag:s15], $0x100  }
0x31: {  	[sflag:s15] =	ssyncset.done $0x0  }
0x32: {  	[sflag:s15] =	ssyncadd.s32 $0xFFFFFF00  }
0x33: {  	[tilespmem:s17], [sflag:$0x1] =	stream.indirect.gather [hbm4b:s3+s16], $0x80, s2, s16, $0xb8;
	[tilespmem:$0x10200] =	vst v63  }
0x34: {  	_ =	swait.ge [sflag:s24], $0x4000  }
0x35: {  	s28 =	simm.s32 $0x80;
	s26 =	simm.s32 $0x40;
	[sflag:s24] =	ssyncset.done $0x0  }
.LBB2_2:
0x36: {  	s29 =	sadd.s32 s26, s13  }
0x37: {  	[sflag:s24] =	ssyncadd.s32 $0xFFFFC000;
	s30 =	smov.u32 s28;
	s31 =	sadd.s32 $0x40, s28  }
0x38: {  	[tilespmem:s18], [sflag:$0x5] =	stream.linear.gather [hbm4b:s29+s2], $0x100, $0x38;
	[tilespmem:$0x10200] =	vst v63  }
0x39: {  	p1 =	sne.s32 s28, $0x940;
	_ =	swait.ge [sflag:s15], $0x100  }
0x3a: {  	[sflag:s15] =	ssyncset.done $0x0  }
0x3b: {  	[sflag:s15] =	ssyncadd.s32 $0xFFFFFF00  }
0x3c: {  	[tilespmem:s19], [sflag:$0x2] =	stream.indirect.gather [hbm4b:s3+s16], $0x80, s18, s16, $0xb8;
	[tilespmem:$0x10200] =	vst v63  }
0x3d: {  	_ =	swait.ge [sflag:s20], $0x4000  }
0x3e: {  	[sflag:s20] =	ssyncset.done $0x0  }
0x3f: {  	[sflag:s20] =	ssyncadd.s32 $0xFFFFC000  }
0x40: {  	[spmem:s1] =	stream.indirect.scatter.add.f32 [tilespmem:s17], [sflag:$0x3], $0x80, s16, s16, $0xb8;
	[tilespmem:$0x10200] =	vst v63  }
0x41: {  	_ =	swait.ge [sflag:s21], $0x4000  }
0x42: {  	[sflag:s21] =	ssyncset.done $0x0  }
0x43: {  	[sflag:s21] =	ssyncadd.s32 $0xFFFFC000  }
0x44: {  	[spmem:s1] =	stream.indirect.scatter.add.f32 [tilespmem:s19], [sflag:$0x4], $0x80, s22, s16, $0xb8;
	[tilespmem:$0x10200] =	vst v63  }
0x45: {  	_ =	swait.ge [sflag:s23], $0x4000  }
0x46: {  	[sflag:s23] =	ssyncset.done $0x0  }
0x47: {  	s28 =	sadd.s32 s26, s12;
	s26 =	smov.u32 s30;
	[sflag:s23] =	ssyncadd.s32 $0xFFFFC000  }
0x48: {  	[tilespmem:s2], [sflag:$0x5] =	stream.linear.gather [hbm4b:s28+s2], $0x100, $0x38;
	[tilespmem:$0x10200] =	vst v63  }
0x49: {  	_ =	swait.ge [sflag:s15], $0x100  }
.Ltmp0:
0x4a: {  	[sflag:s15] =	ssyncset.done $0x0;
	(pc) =	sbr.rel @p1 .LBB2_2-.Ltmp0, $4  }
0x4b: {  	[sflag:s15] =	ssyncadd.s32 $0xFFFFFF00  }
0x4c: {  	[tilespmem:s17], [sflag:$0x1] =	stream.indirect.gather [hbm4b:s3+s16], $0x80, s2, s16, $0xb8;
	[tilespmem:$0x10200] =	vst v63  }
0x4d: {  	_ =	swait.ge [sflag:s24], $0x4000  }
0x4e: {  	s28 =	smov.u32 s31;
	[sflag:s24] =	ssyncset.done $0x0  }
0x4f: {  	s28 =	sadd.s32 s26, s13;
	[sflag:s24] =	ssyncadd.s32 $0xFFFFC000  }
0x50: {  	[tilespmem:s18], [sflag:$0x5] =	stream.linear.gather [hbm4b:s28+s2], $0x100, $0x38;
	[tilespmem:$0x10200] =	vst v63  }
0x51: {  	_ =	swait.ge [sflag:s15], $0x100  }
0x52: {  	[sflag:s15] =	ssyncset.done $0x0  }
0x53: {  	[sflag:s15] =	ssyncadd.s32 $0xFFFFFF00  }
0x54: {  	[tilespmem:s19], [sflag:$0x2] =	stream.indirect.gather [hbm4b:s3+s16], $0x80, s18, s16, $0xb8;
	[tilespmem:$0x10200] =	vst v63  }
0x55: {  	_ =	swait.ge [sflag:s20], $0x4000  }
0x56: {  	[sflag:s20] =	ssyncset.done $0x0  }
0x57: {  	[sflag:s20] =	ssyncadd.s32 $0xFFFFC000  }
0x58: {  	[spmem:s1] =	stream.indirect.scatter.add.f32 [tilespmem:s17], [sflag:$0x3], $0x80, s16, s16, $0xb8;
	[tilespmem:$0x10200] =	vst v63  }
0x59: {  	_ =	swait.ge [sflag:s21], $0x4000  }
0x5a: {  	[sflag:s21] =	ssyncset.done $0x0  }
0x5b: {  	[sflag:s21] =	ssyncadd.s32 $0xFFFFC000  }
0x5c: {  	[spmem:s1] =	stream.indirect.scatter.add.f32 [tilespmem:s19], [sflag:$0x4], $0x80, s22, s16, $0xb8;
	[tilespmem:$0x10200] =	vst v63  }
0x5d: {  	_ =	swait.ge [sflag:s23], $0x4000  }
0x5e: {  	[sflag:s23] =	ssyncset.done $0x0  }
0x5f: {  	s31 =	sadd.s32 s26, s12;
	[sflag:s23] =	ssyncadd.s32 $0xFFFFC000  }
0x60: {  	[tilespmem:s2], [sflag:$0x5] =	stream.linear.gather [hbm4b:s31+s2], $0x100, $0x38;
	[tilespmem:$0x10200] =	vst v63  }
0x61: {  	_ =	swait.ge [sflag:s15], $0x100  }
0x62: {  	[sflag:s15] =	ssyncset.done $0x0  }
0x63: {  	[sflag:s15] =	ssyncadd.s32 $0xFFFFFF00  }
0x64: {  	[tilespmem:s17], [sflag:$0x1] =	stream.indirect.gather [hbm4b:s3+s16], $0x80, s2, s16, $0xb8;
	[tilespmem:$0x10200] =	vst v63  }
0x65: {  	_ =	swait.ge [sflag:s24], $0x4000  }
0x66: {  	[sflag:s24] =	ssyncset.done $0x0  }
0x67: {  	[sflag:s24] =	ssyncadd.s32 $0xFFFFC000  }
0x68: {  	[tilespmem:s18], [sflag:$0x5] =	stream.linear.gather [hbm4b:s11+s2], $0x100, $0x38;
	[tilespmem:$0x10200] =	vst v63  }
0x69: {  	_ =	swait.ge [sflag:s15], $0x100  }
0x6a: {  	[sflag:s15] =	ssyncset.done $0x0  }
0x6b: {  	[sflag:s15] =	ssyncadd.s32 $0xFFFFFF00  }
0x6c: {  	[tilespmem:s19], [sflag:$0x2] =	stream.indirect.gather [hbm4b:s3+s16], $0x80, s18, s16, $0xb8;
	[tilespmem:$0x10200] =	vst v63  }
0x6d: {  	_ =	swait.ge [sflag:s20], $0x4000  }
0x6e: {  	[sflag:s20] =	ssyncset.done $0x0  }
0x6f: {  	[sflag:s20] =	ssyncadd.s32 $0xFFFFC000  }
0x70: {  	[spmem:s1] =	stream.indirect.scatter.add.f32 [tilespmem:s17], [sflag:$0x3], $0x80, s16, s16, $0xb8;
	[tilespmem:$0x10200] =	vst v63  }
0x71: {  	_ =	swait.ge [sflag:s21], $0x4000  }
0x72: {  	[sflag:s21] =	ssyncset.done $0x0  }
0x73: {  	[sflag:s21] =	ssyncadd.s32 $0xFFFFC000  }
0x74: {  	[spmem:s1] =	stream.indirect.scatter.add.f32 [tilespmem:s19], [sflag:$0x4], $0x80, s22, s16, $0xb8;
	[tilespmem:$0x10200] =	vst v63  }
0x75: {  	_ =	swait.ge [sflag:s23], $0x4000  }
0x76: {  	[sflag:s23] =	ssyncset.done $0x0  }
0x77: {  	[sflag:s23] =	ssyncadd.s32 $0xFFFFC000  }
0x78: {  	_ =	swait.ge [sflag:s24], $0x4000  }
0x79: {  	[sflag:s24] =	ssyncset.done $0x0  }
0x7a: {  	s26 =	simm.s32 @!p0 $0x0;
	s28 =	simm.s32 @!p0 $0x5;
	[sflag:s24] =	ssyncadd.s32 $0xFFFFC000  }
0x7b: {  	[tilespmem:s26], [sflag:$0x5] =	stream.linear.gather @!p0 [hbm4b:s8+s26], $0x100, $0x38;
	[tilespmem:$0x10200] =	vst v63  }
0x7c: {  	_ =	swait.ge @!p0 [sflag:s28], $0x100  }
0x7d: {  	[sflag:s28] =	ssyncset.done @!p0 $0x0  }
0x7e: {  	s29 =	simm.s32 @!p0 $0x200;
	[sflag:s28] =	ssyncadd.s32 @!p0 $0xFFFFFF00;
	s28 =	simm.s32 @!p0 $0x80  }
0x7f: {  	[tilespmem:s29], [sflag:$0x1] =	stream.indirect.gather @!p0 [hbm4b:s3+s28], $0x80, s26, s28, $0xb8;
	[tilespmem:$0x10200] =	vst v63  }
0x80: {  	s26 =	simm.s32 @!p0 $0x1  }
0x81: {  	_ =	swait.ge @!p0 [sflag:s26], $0x4000  }
0x82: {  	[sflag:s26] =	ssyncset.done @!p0 $0x0  }
0x83: {  	[sflag:s26] =	ssyncadd.s32 @!p0 $0xFFFFC000;
	s26 =	simm.s32 @!p0 $0x3  }
0x84: {  	[spmem:s1] =	stream.indirect.scatter.add.f32 @!p0 [tilespmem:s29], [sflag:$0x3], $0x80, s28, s28, $0xb8;
	[tilespmem:$0x10200] =	vst v63  }
0x85: {  	_ =	swait.ge @!p0 [sflag:s26], $0x4000  }
0x86: {  	s25 =	sadd.s32 $0x1, s25;
	[sflag:s26] =	ssyncset.done @!p0 $0x0  }
0x87: {  	p1 =	sne.s32 s25, s10;
	[sflag:s26] =	ssyncadd.s32 @!p0 $0xFFFFC000  }
.Ltmp1:
0x88: {  	[bflag:$0x0] =	sbarrier.arrive $0xFFFF;
	(pc) =	sbr.rel @p1 .LBB2_1-.Ltmp1, $4  }
0x89: {  	[hbm:s9], [sflag:s6] =	dma.local [spmem:s14], $0x1000  }
0x8a: {  	_ =	swait.ge [sflag:s15], $0x1000  }
0x8b: {  	[sflag:s15] =	ssyncset.done $0x0  }
0x8c: {  	[sflag:s15] =	ssyncadd.s32 $0xFFFFF000  }
0x8d: {  	_ =	sfence.sel $0x180000  }
0x8e: {  	[bflag:$0x0] =	sbarrier.arrive $0xFFFF  }
0x8f: {  	p0 =	sne.s32 s4, $0x0;
	_ =	strace $0x90000047  }
0x90: {  	s0 =	sadd.s32 @!p0 $0x100000, s0;
	[bflag:$0x2] =	sbarrier.arrive $0xFFFF  }
0x91: {  	[sflag:s0] =	ssyncadd.tile.s32 @!p0 $0x1;
	_ =	shalt  }
.Lfunc_end2:
_tile_overlayer_lowered:
.L_overlay_start_2:
0x92: {  	(tag) =	ssettag $0x2  }
0x93: {  	s0 =	rddreg [dreg:$0x0];
	s2 =	stileid.u32  }
0x94: {  	s1 =	rddreg [dreg:$0x1];
	p0 =	sne.s32 s2, $0x0  }
0x95: {  	s3 =	rddreg [dreg:$0x2];
	[bflag:$0x3] =	sbarrier.arrive $0xFFFF;
	s2 =	simm.s32 @!p0 $0x1C05  }
0x96: {  	[timem:s3], [sflag:s2] =	dma.local @!p0 [hbm:s0], s1  }
0x97: {  	s0 =	simm.s32 @!p0 $0x5  }
0x98: {  	_ =	swait.ge @!p0 [sflag:s0], s1  }
0x99: {  	s1 =	ssub.s32 @!p0 $0x0, s1;
	[sflag:s0] =	ssyncset.done @!p0 $0x0  }
0x9a: {  	[sflag:s0] =	ssyncadd.s32 @!p0 s1  }
0x9b: {  	[bflag:$0x3] =	sbarrier.arrive $0xFFFF  }
0x9c: {  	_ =	shalt  }

// kernel: kernel.13.cloned.1.call-start
scs
__scs_entry_jumppad:
0x0: {  	(pc) =	sbr.rel $0x88, $3  }
0x1: {  	(tag) =	ssettag $0x0;
	lr =	simm.s32 $0x1  }
0x2: {  	[smem:$0x3F92] =	sst lr;
	_ =	strace $0xD0000000  }
0x3: {  	_ = 	snop  }
0x4: {  	_ = 	snop  }
0x5: {  	_ = 	snop  }
0x6: {  	_ = 	snop  }
0x7: {  	_ = 	snop  }
__scs_overlays_trampoline_lowered:
0x8: {  	[smem:$0x3FA1] =	sst s0  }
0x9: {  	[smem:$0x3FA2] =	sst s1  }
0xa: {  	[smem:$0x3FA3] =	sst s2  }
0xb: {  	[smem:$0x3FA4] =	sst s3  }
0xc: {  	[smem:$0x3FA5] =	sst s4  }
0xd: {  	[smem:$0x3FA6] =	sst s5  }
0xe: {  	[smem:$0x3FA7] =	sst s6  }
0xf: {  	[smem:$0x3FA8] =	sst s7  }
0x10: {  	[smem:$0x3FA9] =	sst s8  }
0x11: {  	[smem:$0x3FAA] =	sst s9;
	s0 =	simm.s32 @!p0 $0x0  }
0x12: {  	s1 =	sld [smem:$0x3F90];
	s0 =	simm.s32 @p0 $0x1  }
0x13: {  	[smem:$0x3FAB] =	sst s0;
	s0 =	simm.s32 @!p1 $0x0  }
0x14: {  	s2 =	sld [smem:$0x3F8F];
	s0 =	simm.s32 @p1 $0x1  }
0x15: {  	[smem:$0x3FAC] =	sst s0;
	s0 =	simm.s32 @!p2 $0x0  }
0x16: {  	s3 =	sld [smem:$0x3FDB];
	s0 =	simm.s32 @p2 $0x1  }
0x17: {  	s4 =	simm.s32 $0x1BF5;
	[smem:$0x3FAE] =	sst s0  }
0x18: {  	s0 =	sld [smem:$0x3F91];
	_ =	swait.ge [sflag:s4], $0x0  }
0x19: {  	s7 =	sld [smem:$0x3F92]  }
0x1a: {  	s8 =	sadd.s32 $0xFFFFE003, lr  }
0x1b: {  	s9 =	sadd.s32 $0xFFFFFEF7, lr;
	s5 =	simm.s32 $0xFFFFFFFF;
	p2 =	slt.u32 s8, $0xFFFFF086  }
0x1c: {  	p1 =	slt.u32 s9, $0xF7A;
	s5 =	simm.s32 @!p2 $0x0  }
0x1d: {  	s5 =	simm.s32 @p1 $0x1;
	p0 =	seq.s32 s7, s2  }
0x1e: {  	s7 =	smul.u32 @!p0 $0xF7A, s2;
	p2 =	seq.s32 @!p0 s5, $0x0  }
0x1f: {  	s9 =	smul.u32 $0xF7A, s1;
	s8 =	simm.s32 @!p0 $0x1BF5;
	p2 =	por !p2, p0  }
0x20: {  	[sflag:s8] =	ssyncset.s32 @!p0 $0xFFFFF086;
	s6 =	sadd.s32 @!p0 s3, s7;
	s7 =	simm.s32 @!p0 $0x108  }
0x21: {  	s3 =	sadd.s32 s3, s9;
	s6 =	sadd.s32 @!p0 $0x88, s6;
	s7 =	simm.s32 @p2 $0x1082  }
0x22: {  	[simem:s7], [sflag:s8] =	dma.local @!p0 [hbm:s6], $0xF7A  }
0x23: {  	s9 =	sor.u32 $0xD0000000, s2;
	s6 =	simm.s32 $0x108;
	_ =	swait.ge @!p0 [sflag:s8], $0x0  }
0x24: {  	s3 =	sadd.s32 $0x88, s3;
	s6 =	simm.s32 @!p1 $0x1082;
	[sflag:s4] =	ssyncset.s32 $0xFFFFF086  }
0x25: {  	[simem:s6], [sflag:s4] =	dma.local [hbm:s3], $0xF7A  }
0x26: {  	[smem:$0x3F92] =	sst s1;
	(tag) =	ssettag s2;
	_ =	strace s9  }
0x27: {  	s1 =	sld [smem:$0x3FA2]  }
0x28: {  	s2 =	sld [smem:$0x3FA3]  }
0x29: {  	s4 =	sld [smem:$0x3FA5]  }
0x2a: {  	p0 =	seq.s32 s5, $0x0;
	s5 =	sld [smem:$0x3FA6]  }
0x2b: {  	s6 =	sld [smem:$0x3FA7]  }
0x2c: {  	s7 =	sld [smem:$0x3FA8]  }
0x2d: {  	s3 =	simm.s32 $0x108;
	s8 =	sld [smem:$0x3FA9]  }
0x2e: {  	s3 =	simm.s32 @!p0 $0x1082;
	s9 =	sld [smem:$0x3FAA]  }
0x2f: {  	lr =	sadd.s32 s0, s3;
	s0 =	sld [smem:$0x3FA1]  }
0x30: {  	s3 =	sld [smem:$0x3FA4]  }
0x31: {  	[smem:$0x3FAD] =	sst s10  }
0x32: {  	s10 =	sld [smem:$0x3FAB];
	_ =	sdelay $0x3  }
0x33: {  	p0 =	seq.s32 s10, $0x1;
	s10 =	sld [smem:$0x3FAD];
	_ =	sdelay $0x3  }
0x34: {  	[smem:$0x3FAD] =	sst s10  }
0x35: {  	s10 =	sld [smem:$0x3FAC];
	_ =	sdelay $0x3  }
0x36: {  	p1 =	seq.s32 s10, $0x1;
	s10 =	sld [smem:$0x3FAD];
	_ =	sdelay $0x3  }
0x37: {  	[smem:$0x3FAD] =	sst s10  }
0x38: {  	s10 =	sld [smem:$0x3FAE]  }
0x39: {  	_ = 	snop;
	(pc) =	sbr.ind lr, $3  }
0x3a: {  	_ = 	snop  }
0x3b: {  	_ = 	snop  }
0x3c: {  	p2 =	seq.s32 s10, $0x1;
	s10 =	sld [smem:$0x3FAD]  }
0x3d: {  	_ =	shalt  }
0x3e: {  	_ =	shalt  }
0x3f: {  	_ =	shalt  }
0x40: {  	_ =	shalt  }
0x41: {  	_ =	shalt  }
0x42: {  	_ =	shalt  }
0x43: {  	_ =	shalt  }
0x44: {  	_ =	shalt  }
0x45: {  	_ =	shalt  }
0x46: {  	_ =	shalt  }
0x47: {  	_ =	shalt  }
0x48: {  	_ =	shalt  }
0x49: {  	_ =	shalt  }
0x4a: {  	_ =	shalt  }
0x4b: {  	_ =	shalt  }
0x4c: {  	_ =	shalt  }
0x4d: {  	_ =	shalt  }
0x4e: {  	_ =	shalt  }
0x4f: {  	_ =	shalt  }
0x50: {  	_ =	shalt  }
0x51: {  	_ =	shalt  }
0x52: {  	_ =	shalt  }
0x53: {  	_ =	shalt  }
0x54: {  	_ =	shalt  }
0x55: {  	_ =	shalt  }
0x56: {  	_ =	shalt  }
0x57: {  	_ =	shalt  }
0x58: {  	_ =	shalt  }
0x59: {  	_ =	shalt  }
0x5a: {  	_ =	shalt  }
0x5b: {  	_ =	shalt  }
0x5c: {  	_ =	shalt  }
0x5d: {  	_ =	shalt  }
0x5e: {  	_ =	shalt  }
0x5f: {  	_ =	shalt  }
0x60: {  	_ =	shalt  }
0x61: {  	_ =	shalt  }
0x62: {  	_ =	shalt  }
0x63: {  	_ =	shalt  }
0x64: {  	_ =	shalt  }
0x65: {  	_ =	shalt  }
0x66: {  	_ =	shalt  }
0x67: {  	_ =	shalt  }
0x68: {  	_ =	shalt  }
0x69: {  	_ =	shalt  }
0x6a: {  	_ =	shalt  }
0x6b: {  	_ =	shalt  }
0x6c: {  	_ =	shalt  }
0x6d: {  	_ =	shalt  }
0x6e: {  	_ =	shalt  }
0x6f: {  	_ =	shalt  }
0x70: {  	_ =	shalt  }
0x71: {  	_ =	shalt  }
0x72: {  	_ =	shalt  }
0x73: {  	_ =	shalt  }
0x74: {  	_ =	shalt  }
0x75: {  	_ =	shalt  }
0x76: {  	_ =	shalt  }
0x77: {  	_ =	shalt  }
0x78: {  	_ =	shalt  }
0x79: {  	_ =	shalt  }
0x7a: {  	_ =	shalt  }
0x7b: {  	_ =	shalt  }
0x7c: {  	_ =	shalt  }
0x7d: {  	_ =	shalt  }
0x7e: {  	_ =	shalt  }
0x7f: {  	_ =	shalt  }
0x80: {  	_ =	shalt  }
0x81: {  	_ =	shalt  }
0x82: {  	_ =	shalt  }
0x83: {  	_ =	shalt  }
0x84: {  	_ =	shalt  }
0x85: {  	_ =	shalt  }
0x86: {  	_ =	shalt  }
0x87: {  	_ =	shalt  }
.Lfunc_end0:
.L_simem_size_0:
called_computation.1_lowered:
.L_overlay_start_0:
0x88: {  	s2 =	sld [smem:$0x3FD9]  }
0x89: {  	s3 =	sld [smem:$0x3FFE];
	_ =	sdelay $0x1  }
0x8a: {  	s1 =	srdreg.scid  }
0x8b: {  	s0 =	sand.u32 $0x1, s1  }
0x8c: {  	s17 =	sshll.u32 s0, $0xA;
	s2 =	sadd.s32 s3, s2  }
0x8d: {  	s2 =	sadd.s32 s2, s17  }
0x8e: {  	[smem:$0x3FB9] =	sst s2  }
0x8f: {  	_ = 	snop  }
0x90: {  	s2 =	sld [smem:$0x3FD0];
	(tm) =	ssettm $0x1  }
0x91: {  	s18 =	sld [smem:$0x3FFB];
	_ =	sdelay $0x3  }
0x92: {  	_ =	strace s18  }
0x93: {  	s3 =	sld [smem:$0x3FFC];
	_ =	sdelay $0x3  }
0x94: {  	_ =	strace s3  }
0x95: {  	s3 =	sld [smem:$0x3FFD];
	_ =	sdelay $0x3  }
0x96: {  	_ =	strace s3  }
0x97: {  	_ =	strace $0x8FFFFFFF  }
0x98: {  	s19 =	sld [smem:$0x3FDB];
	_ =	sdelay $0x1  }
0x99: {  	s4 =	simm.s32 $_scs_section_size  }
0x9a: {  	s5 =	simm.s32 $_size__tile_overlayer_lowered;
	s6 =	simm.s32 $_tile_overlayer_lowered  }
0x9b: {  	s22 =	simm.s32 $0x1BFF;
	s21 =	sshll.u32 s6, $0x1;
	s3 =	sadd.s32 s4, s19  }
0x9c: {  	s7 =	simm.s32 $0x0;
	s20 =	sshll.u32 s5, $0x1;
	s5 =	sadd.s32 s21, s3  }
0x9d: {  	[timem:s7], [sflag:s22] =	dma.local [hbm:s5], s20  }
0x9e: {  	_ =	swait.ge [sflag:s22], s20  }
0x9f: {  	s4 =	ssub.s32 $0x0, s20;
	[sflag:s22] =	ssyncset.done $0x0  }
0xa0: {  	[sflag:s22] =	ssyncadd.s32 s4;
	_ =	sdelay $0x1  }
0xa1: {  	s23 =	simm.s32 $0x1B8B  }
0xa2: {  	_ =	swait.ge [sflag:s23], $0x1  }
0xa3: {  	[sflag:s23] =	ssyncset.done $0x0  }
0xa4: {  	s25 =	simm.s32 $0x1B8E;
	s24 =	sld [smem:$0x3FFE];
	[sflag:s23] =	ssyncadd.s32 $0xFFFFFFFF  }
0xa5: {  	s26 =	simm.s32 $execute0_lowered;
	[smem:$0x3FD2] =	sst s25  }
0xa6: {  	s5 =	sshll.u32 s26, $0x1;
	_ =	strace $0x80000049;
	[dreg:$0x1] =	wrdreg $0xFFFFFFFF  }
0xa7: {  	s28 =	simm.s32 $_size_execute0_lowered;
	s3 =	sadd.s32 s3, s5;
	[dreg:$0x0] =	wrdreg $0x0  }
0xa8: {  	s5 =	sshll.u32 s28, $0x1;
	[dreg:$0x2] =	wrdreg s3  }
0xa9: {  	[dreg:$0x3] =	wrdreg s5  }
0xaa: {  	[dreg:$0x4] =	wrdreg $0xC0  }
0xab: {  	_ =	task [dreg:s7], $0x5FFFF  }
0xac: {  	[dreg:$0x1] =	wrdreg $0xFFFFFFFF  }
0xad: {  	[dreg:$0x0] =	wrdreg $0x60  }
0xae: {  	[dreg:$0x2] =	wrdreg s24  }
0xaf: {  	[dreg:$0x3] =	wrdreg s2  }
0xb0: {  	[dreg:$0x4] =	wrdreg $0x82000  }
0xb1: {  	[dreg:$0x5] =	wrdreg $0x9  }
0xb2: {  	_ =	task.clear_ibuf [dreg:s7], $0x6FFFF;
	_ =	strace $0x90000049  }
0xb3: {  	s29 =	simm.s32 $0x9;
	_ =	strace $0x8000004B  }
0xb4: {  	_ =	swait.ge [sflag:s29], $0x1  }
0xb5: {  	[sflag:s29] =	ssyncadd.s32 $0xFFFFFFFF  }
0xb6: {  	_ =	strace $0x9000004B  }
0xb7: {  	_ =	sfence  }
0xb8: {  	s30 =	sld [smem:$0x0];
	_ =	sdelay $0x2  }
0xb9: {  	s31 =	sshll.u32 s1, $0xD;
	s1 =	sshrl.u32 s1, $0x2  }
0xba: {  	s3 =	sand.u32 $0x4000, s31;
	s1 =	sadd.s32 s1, s30  }
0xbb: {  	s0 =	sor.u32 s3, s0;
	s1 =	sshll.u32 s1, $0x11  }
0xbc: {  	s0 =	sor.u32 s1, s0  }
0xbd: {  	s0 =	sadd.s32 $0x8F2B, s0  }
0xbe: {  	[sflag:s0] =	ssyncadd.remote.s32 $0x1  }
0xbf: {  	_ =	sfence.sel $0xFFFF  }
0xc0: {  	[dreg:$0x0] =	wrdreg $0xFFFFFFFF;
	(pc) =	sbr.abs _section_cstart, $3  }
0xc1: {  	[dreg:$0x1] =	wrdreg $0xFFFFFFFF  }
0xc2: {  	_ =	task.clear_ibuf [dreg:s7], $0x2FFFF;
	_ =	strace $0x9FFFFFFF  }
0xc3: {  	(tm) =	ssettm $0x7FFFFFFF  }
tec
execute0_lowered:
.L_overlay_start_1:
0x0: {  	(tag) =	ssettag $0x1  }
0x1: {  	s26 =	rddreg [dreg:$0x0]  }
0x2: {  	s8 =	rddreg [dreg:$0x1]  }
0x3: {  	s2 =	rddreg [dreg:$0x2]  }
0x4: {  	s0 =	rddreg [dreg:$0x3];
	s3 =	simm.s32 $0x0;
	s1 =	stileid.u32  }
0x5: {  	s5 =	srdreg.scid;
	[smem:$0x7FF] =	sst s3  }
0x6: {  	s4 =	sadd.s32 $0x13800, s26;
	s6 =	sshll.u32 s1, $0xD;
	s28 =	sand.u32 $0x1, s5  }
0x7: {  	s30 =	sshll.u32 s1, $0x6;
	_ =	strace $0x8000004A;
	s6 =	sadd.s32 s6, s2  }
0x8: {  	s5 =	sor.u32 $0x1C05, s30;
	s7 =	sshrl.u32 s6, $0x3;
	s6 =	simm.s32 $0x5  }
0x9: {  	[spmem:s7], [sflag:s5] =	dma.local [hbm:s4], $0x400  }
0xa: {  	s30 =	sshll.u32 s1, $0xA;
	s29 =	sshll.u32 s28, $0xE;
	_ =	swait.ge [sflag:s6], $0x400  }
0xb: {  	s9 =	sor.u32 s30, s29;
	[sflag:s6] =	ssyncset.done $0x0  }
0xc: {  	s9 =	sshrl.u32 s9, $0x2;
	[sflag:s6] =	ssyncadd.s32 $0xFFFFFC00  }
0xd: {  	s8 =	sadd.s32 s8, s9;
	[bflag:$0x0] =	sbarrier.arrive $0xFFFF  }
0xe: {  	[tilespmem:s3], [sflag:$0x5] =	stream.linear.gather [hbm4b:s8+s3], $0x100, $0x38;
	[tilespmem:$0xA200] =	vst v63  }
0xf: {  	_ =	swait.ge [sflag:s6], $0x100  }
0x10: {  	s10 =	simm.s32 $0x80;
	[sflag:s6] =	ssyncset.done $0x0  }
0x11: {  	s11 =	simm.s32 $0x200;
	s9 =	sadd.s32 $0x3800, s26;
	[sflag:s6] =	ssyncadd.s32 $0xFFFFFF00  }
0x12: {  	[tilespmem:s11], [sflag:$0x1] =	stream.indirect.gather [hbm4b:s9+s10], $0x80, s3, s10, $0xb8;
	[tilespmem:$0xA200] =	vst v63  }
0x13: {  	s13 =	simm.s32 $0x100;
	s12 =	sadd.s32 $0x20, s8  }
0x14: {  	[tilespmem:s13], [sflag:$0x5] =	stream.linear.gather [hbm4b:s12+s3], $0x100, $0x38;
	[tilespmem:$0xA200] =	vst v63  }
0x15: {  	_ =	swait.ge [sflag:s6], $0x100  }
0x16: {  	[sflag:s6] =	ssyncset.done $0x0  }
0x17: {  	s14 =	simm.s32 $0x4200;
	s15 =	simm.s32 $0x1;
	[sflag:s6] =	ssyncadd.s32 $0xFFFFFF00  }
0x18: {  	[tilespmem:s14], [sflag:$0x2] =	stream.indirect.gather [hbm4b:s9+s10], $0x80, s13, s10, $0xb8;
	[tilespmem:$0xA200] =	vst v63  }
0x19: {  	_ =	swait.ge [sflag:s15], $0x4000  }
0x1a: {  	[sflag:s15] =	ssyncset.done $0x0  }
0x1b: {  	s16 =	simm.s32 $0x2;
	[sflag:s15] =	ssyncadd.s32 $0xFFFFC000  }
0x1c: {  	[spmem:s2] =	stream.indirect.scatter.add.f32 [tilespmem:s11], [sflag:$0x3], $0x80, s10, s10, $0xb8;
	[tilespmem:$0xA200] =	vst v63  }
0x1d: {  	_ =	swait.ge [sflag:s16], $0x4000  }
0x1e: {  	[sflag:s16] =	ssyncset.done $0x0  }
0x1f: {  	s17 =	simm.s32 $0x180;
	s18 =	simm.s32 $0x3;
	[sflag:s16] =	ssyncadd.s32 $0xFFFFC000  }
0x20: {  	[spmem:s2] =	stream.indirect.scatter.add.f32 [tilespmem:s14], [sflag:$0x4], $0x80, s17, s10, $0xb8;
	[tilespmem:$0xA200] =	vst v63  }
0x21: {  	_ =	swait.ge [sflag:s18], $0x4000  }
0x22: {  	[sflag:s18] =	ssyncset.done $0x0  }
0x23: {  	s19 =	sadd.s32 $0x40, s8;
	[sflag:s18] =	ssyncadd.s32 $0xFFFFC000  }
0x24: {  	[tilespmem:s3], [sflag:$0x5] =	stream.linear.gather [hbm4b:s19+s3], $0x100, $0x38;
	[tilespmem:$0xA200] =	vst v63  }
0x25: {  	_ =	swait.ge [sflag:s6], $0x100  }
0x26: {  	[sflag:s6] =	ssyncset.done $0x0  }
0x27: {  	s20 =	simm.s32 $0x4;
	[sflag:s6] =	ssyncadd.s32 $0xFFFFFF00  }
0x28: {  	[tilespmem:s11], [sflag:$0x1] =	stream.indirect.gather [hbm4b:s9+s10], $0x80, s3, s10, $0xb8;
	[tilespmem:$0xA200] =	vst v63  }
0x29: {  	_ =	swait.ge [sflag:s20], $0x4000  }
0x2a: {  	[sflag:s20] =	ssyncset.done $0x0  }
0x2b: {  	s21 =	sadd.s32 $0x60, s8;
	[sflag:s20] =	ssyncadd.s32 $0xFFFFC000  }
0x2c: {  	[tilespmem:s13], [sflag:$0x5] =	stream.linear.gather [hbm4b:s21+s3], $0x100, $0x38;
	[tilespmem:$0xA200] =	vst v63  }
0x2d: {  	_ =	swait.ge [sflag:s6], $0x100  }
0x2e: {  	[sflag:s6] =	ssyncset.done $0x0  }
0x2f: {  	[sflag:s6] =	ssyncadd.s32 $0xFFFFFF00  }
0x30: {  	[tilespmem:s14], [sflag:$0x2] =	stream.indirect.gather [hbm4b:s9+s10], $0x80, s13, s10, $0xb8;
	[tilespmem:$0xA200] =	vst v63  }
0x31: {  	_ =	swait.ge [sflag:s15], $0x4000  }
0x32: {  	[sflag:s15] =	ssyncset.done $0x0  }
0x33: {  	[sflag:s15] =	ssyncadd.s32 $0xFFFFC000  }
0x34: {  	[spmem:s2] =	stream.indirect.scatter.add.f32 [tilespmem:s11], [sflag:$0x3], $0x80, s10, s10, $0xb8;
	[tilespmem:$0xA200] =	vst v63  }
0x35: {  	_ =	swait.ge [sflag:s16], $0x4000  }
0x36: {  	[sflag:s16] =	ssyncset.done $0x0  }
0x37: {  	[sflag:s16] =	ssyncadd.s32 $0xFFFFC000  }
0x38: {  	[spmem:s2] =	stream.indirect.scatter.add.f32 [tilespmem:s14], [sflag:$0x4], $0x80, s17, s10, $0xb8;
	[tilespmem:$0xA200] =	vst v63  }
0x39: {  	_ =	swait.ge [sflag:s18], $0x4000  }
0x3a: {  	[sflag:s18] =	ssyncset.done $0x0  }
0x3b: {  	s22 =	sadd.s32 $0x80, s8;
	[sflag:s18] =	ssyncadd.s32 $0xFFFFC000  }
0x3c: {  	[tilespmem:s3], [sflag:$0x5] =	stream.linear.gather [hbm4b:s22+s3], $0x100, $0x38;
	[tilespmem:$0xA200] =	vst v63  }
0x3d: {  	_ =	swait.ge [sflag:s6], $0x100  }
0x3e: {  	[sflag:s6] =	ssyncset.done $0x0  }
0x3f: {  	[sflag:s6] =	ssyncadd.s32 $0xFFFFFF00  }
0x40: {  	[tilespmem:s11], [sflag:$0x1] =	stream.indirect.gather [hbm4b:s9+s10], $0x80, s3, s10, $0xb8;
	[tilespmem:$0xA200] =	vst v63  }
0x41: {  	_ =	swait.ge [sflag:s20], $0x4000  }
0x42: {  	[sflag:s20] =	ssyncset.done $0x0  }
0x43: {  	s23 =	sadd.s32 $0xA0, s8;
	[sflag:s20] =	ssyncadd.s32 $0xFFFFC000  }
0x44: {  	[tilespmem:s13], [sflag:$0x5] =	stream.linear.gather [hbm4b:s23+s3], $0x100, $0x38;
	[tilespmem:$0xA200] =	vst v63  }
0x45: {  	_ =	swait.ge [sflag:s6], $0x100  }
0x46: {  	[sflag:s6] =	ssyncset.done $0x0  }
0x47: {  	[sflag:s6] =	ssyncadd.s32 $0xFFFFFF00  }
0x48: {  	[tilespmem:s14], [sflag:$0x2] =	stream.indirect.gather [hbm4b:s9+s10], $0x80, s13, s10, $0xb8;
	[tilespmem:$0xA200] =	vst v63  }
0x49: {  	_ =	swait.ge [sflag:s15], $0x4000  }
0x4a: {  	[sflag:s15] =	ssyncset.done $0x0  }
0x4b: {  	[sflag:s15] =	ssyncadd.s32 $0xFFFFC000  }
0x4c: {  	[spmem:s2] =	stream.indirect.scatter.add.f32 [tilespmem:s11], [sflag:$0x3], $0x80, s10, s10, $0xb8;
	[tilespmem:$0xA200] =	vst v63  }
0x4d: {  	_ =	swait.ge [sflag:s16], $0x4000  }
0x4e: {  	[sflag:s16] =	ssyncset.done $0x0  }
0x4f: {  	[sflag:s16] =	ssyncadd.s32 $0xFFFFC000  }
0x50: {  	[spmem:s2] =	stream.indirect.scatter.add.f32 [tilespmem:s14], [sflag:$0x4], $0x80, s17, s10, $0xb8;
	[tilespmem:$0xA200] =	vst v63  }
0x51: {  	_ =	swait.ge [sflag:s18], $0x4000  }
0x52: {  	[sflag:s18] =	ssyncset.done $0x0  }
0x53: {  	s24 =	sadd.s32 $0xC0, s8;
	[sflag:s18] =	ssyncadd.s32 $0xFFFFC000  }
0x54: {  	[tilespmem:s3], [sflag:$0x5] =	stream.linear.gather [hbm4b:s24+s3], $0x100, $0x38;
	[tilespmem:$0xA200] =	vst v63  }
0x55: {  	_ =	swait.ge [sflag:s6], $0x100  }
0x56: {  	[sflag:s6] =	ssyncset.done $0x0  }
0x57: {  	[sflag:s6] =	ssyncadd.s32 $0xFFFFFF00  }
0x58: {  	[tilespmem:s11], [sflag:$0x1] =	stream.indirect.gather [hbm4b:s9+s10], $0x80, s3, s10, $0xb8;
	[tilespmem:$0xA200] =	vst v63  }
0x59: {  	_ =	swait.ge [sflag:s20], $0x4000  }
0x5a: {  	[sflag:s20] =	ssyncset.done $0x0  }
0x5b: {  	s25 =	sadd.s32 $0xE0, s8;
	[sflag:s20] =	ssyncadd.s32 $0xFFFFC000  }
0x5c: {  	[tilespmem:s13], [sflag:$0x5] =	stream.linear.gather [hbm4b:s25+s3], $0x100, $0x38;
	[tilespmem:$0xA200] =	vst v63  }
0x5d: {  	_ =	swait.ge [sflag:s6], $0x100  }
0x5e: {  	[sflag:s6] =	ssyncset.done $0x0  }
0x5f: {  	[sflag:s6] =	ssyncadd.s32 $0xFFFFFF00  }
0x60: {  	[tilespmem:s14], [sflag:$0x2] =	stream.indirect.gather [hbm4b:s9+s10], $0x80, s13, s10, $0xb8;
	[tilespmem:$0xA200] =	vst v63  }
0x61: {  	_ =	swait.ge [sflag:s15], $0x4000  }
0x62: {  	[sflag:s15] =	ssyncset.done $0x0  }
0x63: {  	[sflag:s15] =	ssyncadd.s32 $0xFFFFC000  }
0x64: {  	[spmem:s2] =	stream.indirect.scatter.add.f32 [tilespmem:s11], [sflag:$0x3], $0x80, s10, s10, $0xb8;
	[tilespmem:$0xA200] =	vst v63  }
0x65: {  	_ =	swait.ge [sflag:s16], $0x4000  }
0x66: {  	[sflag:s16] =	ssyncset.done $0x0  }
0x67: {  	[sflag:s16] =	ssyncadd.s32 $0xFFFFC000  }
0x68: {  	[spmem:s2] =	stream.indirect.scatter.add.f32 [tilespmem:s14], [sflag:$0x4], $0x80, s17, s10, $0xb8;
	[tilespmem:$0xA200] =	vst v63  }
0x69: {  	s28 =	ssub.s32 $0x2, s28;
	_ =	swait.ge [sflag:s18], $0x4000  }
0x6a: {  	s31 =	sshrl.u32 s28, $0x1;
	[sflag:s18] =	ssyncset.done $0x0  }
0x6b: {  	s28 =	ssub.s32 s28, s31;
	[sflag:s18] =	ssyncadd.s32 $0xFFFFC000  }
0x6c: {  	s28 =	smax.u32 s28, $0x1;
	_ =	swait.ge [sflag:s20], $0x4000  }
0x6d: {  	s26 =	sadd.s32 s30, s26;
	p0 =	sne.s32 s28, $0x1;
	[sflag:s20] =	ssyncset.done $0x0  }
.Ltmp0:
0x6e: {  	s26 =	sadd.s32 s29, s26;
	[sflag:s20] =	ssyncadd.s32 $0xFFFFC000;
	(pc) =	sbr.rel @!p0 .LBB2_2-.Ltmp0, $4  }
0x6f: {  	s26 =	sadd.s32 $0x13C00, s26;
	[bflag:$0x0] =	sbarrier.arrive $0xFFFF  }
0x70: {  	[hbm:s26], [sflag:s5] =	dma.local [spmem:s7], $0x400  }
0x71: {  	_ =	swait.ge [sflag:s6], $0x400  }
0x72: {  	s28 =	sadd.s32 $0xFFFFFFFF, s28;
	[sflag:s6] =	ssyncset.done $0x0  }
.LBB2_1:
0x73: {  	p0 =	sne.s32 s28, $0x1;
	s28 =	sadd.s32 $0xFFFFFFFF, s28;
	[sflag:s6] =	ssyncadd.s32 $0xFFFFFC00  }
0x74: {  	[spmem:s7], [sflag:s5] =	dma.local [hbm:s4], $0x400  }
0x75: {  	_ =	swait.ge [sflag:s6], $0x400  }
0x76: {  	[sflag:s6] =	ssyncset.done $0x0  }
0x77: {  	[sflag:s6] =	ssyncadd.s32 $0xFFFFFC00  }
0x78: {  	[bflag:$0x0] =	sbarrier.arrive $0xFFFF  }
0x79: {  	[tilespmem:s3], [sflag:$0x5] =	stream.linear.gather [hbm4b:s8+s3], $0x100, $0x38;
	[tilespmem:$0xA200] =	vst v63  }
0x7a: {  	_ =	swait.ge [sflag:s6], $0x100  }
0x7b: {  	[sflag:s6] =	ssyncset.done $0x0  }
0x7c: {  	[sflag:s6] =	ssyncadd.s32 $0xFFFFFF00  }
0x7d: {  	[tilespmem:s11], [sflag:$0x1] =	stream.indirect.gather [hbm4b:s9+s10], $0x80, s3, s10, $0xb8;
	[tilespmem:$0xA200] =	vst v63  }
0x7e: {  	_ = 	snop  }
0x7f: {  	[tilespmem:s13], [sflag:$0x5] =	stream.linear.gather [hbm4b:s12+s3], $0x100, $0x38;
	[tilespmem:$0xA200] =	vst v63  }
0x80: {  	_ =	swait.ge [sflag:s6], $0x100  }
0x81: {  	[sflag:s6] =	ssyncset.done $0x0  }
0x82: {  	[sflag:s6] =	ssyncadd.s32 $0xFFFFFF00  }
0x83: {  	[tilespmem:s14], [sflag:$0x2] =	stream.indirect.gather [hbm4b:s9+s10], $0x80, s13, s10, $0xb8;
	[tilespmem:$0xA200] =	vst v63  }
0x84: {  	_ =	swait.ge [sflag:s15], $0x4000  }
0x85: {  	[sflag:s15] =	ssyncset.done $0x0  }
0x86: {  	[sflag:s15] =	ssyncadd.s32 $0xFFFFC000  }
0x87: {  	[spmem:s2] =	stream.indirect.scatter.add.f32 [tilespmem:s11], [sflag:$0x3], $0x80, s10, s10, $0xb8;
	[tilespmem:$0xA200] =	vst v63  }
0x88: {  	_ =	swait.ge [sflag:s16], $0x4000  }
0x89: {  	[sflag:s16] =	ssyncset.done $0x0  }
0x8a: {  	[sflag:s16] =	ssyncadd.s32 $0xFFFFC000  }
0x8b: {  	[spmem:s2] =	stream.indirect.scatter.add.f32 [tilespmem:s14], [sflag:$0x4], $0x80, s17, s10, $0xb8;
	[tilespmem:$0xA200] =	vst v63  }
0x8c: {  	_ =	swait.ge [sflag:s18], $0x4000  }
0x8d: {  	[sflag:s18] =	ssyncset.done $0x0  }
0x8e: {  	[sflag:s18] =	ssyncadd.s32 $0xFFFFC000  }
0x8f: {  	[tilespmem:s3], [sflag:$0x5] =	stream.linear.gather [hbm4b:s19+s3], $0x100, $0x38;
	[tilespmem:$0xA200] =	vst v63  }
0x90: {  	_ =	swait.ge [sflag:s6], $0x100  }
0x91: {  	[sflag:s6] =	ssyncset.done $0x0  }
0x92: {  	[sflag:s6] =	ssyncadd.s32 $0xFFFFFF00  }
0x93: {  	[tilespmem:s11], [sflag:$0x1] =	stream.indirect.gather [hbm4b:s9+s10], $0x80, s3, s10, $0xb8;
	[tilespmem:$0xA200] =	vst v63  }
0x94: {  	_ =	swait.ge [sflag:s20], $0x4000  }
0x95: {  	[sflag:s20] =	ssyncset.done $0x0  }
0x96: {  	[sflag:s20] =	ssyncadd.s32 $0xFFFFC000  }
0x97: {  	[tilespmem:s13], [sflag:$0x5] =	stream.linear.gather [hbm4b:s21+s3], $0x100, $0x38;
	[tilespmem:$0xA200] =	vst v63  }
0x98: {  	_ =	swait.ge [sflag:s6], $0x100  }
0x99: {  	[sflag:s6] =	ssyncset.done $0x0  }
0x9a: {  	[sflag:s6] =	ssyncadd.s32 $0xFFFFFF00  }
0x9b: {  	[tilespmem:s14], [sflag:$0x2] =	stream.indirect.gather [hbm4b:s9+s10], $0x80, s13, s10, $0xb8;
	[tilespmem:$0xA200] =	vst v63  }
0x9c: {  	_ =	swait.ge [sflag:s15], $0x4000  }
0x9d: {  	[sflag:s15] =	ssyncset.done $0x0  }
0x9e: {  	[sflag:s15] =	ssyncadd.s32 $0xFFFFC000  }
0x9f: {  	[spmem:s2] =	stream.indirect.scatter.add.f32 [tilespmem:s11], [sflag:$0x3], $0x80, s10, s10, $0xb8;
	[tilespmem:$0xA200] =	vst v63  }
0xa0: {  	_ =	swait.ge [sflag:s16], $0x4000  }
0xa1: {  	[sflag:s16] =	ssyncset.done $0x0  }
0xa2: {  	[sflag:s16] =	ssyncadd.s32 $0xFFFFC000  }
0xa3: {  	[spmem:s2] =	stream.indirect.scatter.add.f32 [tilespmem:s14], [sflag:$0x4], $0x80, s17, s10, $0xb8;
	[tilespmem:$0xA200] =	vst v63  }
0xa4: {  	_ =	swait.ge [sflag:s18], $0x4000  }
0xa5: {  	[sflag:s18] =	ssyncset.done $0x0  }
0xa6: {  	[sflag:s18] =	ssyncadd.s32 $0xFFFFC000  }
0xa7: {  	[tilespmem:s3], [sflag:$0x5] =	stream.linear.gather [hbm4b:s22+s3], $0x100, $0x38;
	[tilespmem:$0xA200] =	vst v63  }
0xa8: {  	_ =	swait.ge [sflag:s6], $0x100  }
0xa9: {  	[sflag:s6] =	ssyncset.done $0x0  }
0xaa: {  	[sflag:s6] =	ssyncadd.s32 $0xFFFFFF00  }
0xab: {  	[tilespmem:s11], [sflag:$0x1] =	stream.indirect.gather [hbm4b:s9+s10], $0x80, s3, s10, $0xb8;
	[tilespmem:$0xA200] =	vst v63  }
0xac: {  	_ =	swait.ge [sflag:s20], $0x4000  }
0xad: {  	[sflag:s20] =	ssyncset.done $0x0  }
0xae: {  	[sflag:s20] =	ssyncadd.s32 $0xFFFFC000  }
0xaf: {  	[tilespmem:s13], [sflag:$0x5] =	stream.linear.gather [hbm4b:s23+s3], $0x100, $0x38;
	[tilespmem:$0xA200] =	vst v63  }
0xb0: {  	_ =	swait.ge [sflag:s6], $0x100  }
0xb1: {  	[sflag:s6] =	ssyncset.done $0x0  }
0xb2: {  	[sflag:s6] =	ssyncadd.s32 $0xFFFFFF00  }
0xb3: {  	[tilespmem:s14], [sflag:$0x2] =	stream.indirect.gather [hbm4b:s9+s10], $0x80, s13, s10, $0xb8;
	[tilespmem:$0xA200] =	vst v63  }
0xb4: {  	_ =	swait.ge [sflag:s15], $0x4000  }
0xb5: {  	[sflag:s15] =	ssyncset.done $0x0  }
0xb6: {  	[sflag:s15] =	ssyncadd.s32 $0xFFFFC000  }
0xb7: {  	[spmem:s2] =	stream.indirect.scatter.add.f32 [tilespmem:s11], [sflag:$0x3], $0x80, s10, s10, $0xb8;
	[tilespmem:$0xA200] =	vst v63  }
0xb8: {  	_ =	swait.ge [sflag:s16], $0x4000  }
0xb9: {  	[sflag:s16] =	ssyncset.done $0x0  }
0xba: {  	[sflag:s16] =	ssyncadd.s32 $0xFFFFC000  }
0xbb: {  	[spmem:s2] =	stream.indirect.scatter.add.f32 [tilespmem:s14], [sflag:$0x4], $0x80, s17, s10, $0xb8;
	[tilespmem:$0xA200] =	vst v63  }
0xbc: {  	_ =	swait.ge [sflag:s18], $0x4000  }
0xbd: {  	[sflag:s18] =	ssyncset.done $0x0  }
0xbe: {  	[sflag:s18] =	ssyncadd.s32 $0xFFFFC000  }
0xbf: {  	[tilespmem:s3], [sflag:$0x5] =	stream.linear.gather [hbm4b:s24+s3], $0x100, $0x38;
	[tilespmem:$0xA200] =	vst v63  }
0xc0: {  	_ =	swait.ge [sflag:s6], $0x100  }
0xc1: {  	[sflag:s6] =	ssyncset.done $0x0  }
0xc2: {  	[sflag:s6] =	ssyncadd.s32 $0xFFFFFF00  }
0xc3: {  	[tilespmem:s11], [sflag:$0x1] =	stream.indirect.gather [hbm4b:s9+s10], $0x80, s3, s10, $0xb8;
	[tilespmem:$0xA200] =	vst v63  }
0xc4: {  	_ =	swait.ge [sflag:s20], $0x4000  }
0xc5: {  	[sflag:s20] =	ssyncset.done $0x0  }
0xc6: {  	[sflag:s20] =	ssyncadd.s32 $0xFFFFC000  }
0xc7: {  	[tilespmem:s13], [sflag:$0x5] =	stream.linear.gather [hbm4b:s25+s3], $0x100, $0x38;
	[tilespmem:$0xA200] =	vst v63  }
0xc8: {  	_ =	swait.ge [sflag:s6], $0x100  }
0xc9: {  	[sflag:s6] =	ssyncset.done $0x0  }
0xca: {  	[sflag:s6] =	ssyncadd.s32 $0xFFFFFF00  }
0xcb: {  	[tilespmem:s14], [sflag:$0x2] =	stream.indirect.gather [hbm4b:s9+s10], $0x80, s13, s10, $0xb8;
	[tilespmem:$0xA200] =	vst v63  }
0xcc: {  	_ =	swait.ge [sflag:s15], $0x4000  }
0xcd: {  	[sflag:s15] =	ssyncset.done $0x0  }
0xce: {  	[sflag:s15] =	ssyncadd.s32 $0xFFFFC000  }
0xcf: {  	[spmem:s2] =	stream.indirect.scatter.add.f32 [tilespmem:s11], [sflag:$0x3], $0x80, s10, s10, $0xb8;
	[tilespmem:$0xA200] =	vst v63  }
0xd0: {  	_ =	swait.ge [sflag:s16], $0x4000  }
0xd1: {  	[sflag:s16] =	ssyncset.done $0x0  }
0xd2: {  	[sflag:s16] =	ssyncadd.s32 $0xFFFFC000  }
0xd3: {  	[spmem:s2] =	stream.indirect.scatter.add.f32 [tilespmem:s14], [sflag:$0x4], $0x80, s17, s10, $0xb8;
	[tilespmem:$0xA200] =	vst v63  }
0xd4: {  	_ =	swait.ge [sflag:s18], $0x4000  }
0xd5: {  	[sflag:s18] =	ssyncset.done $0x0  }
0xd6: {  	[sflag:s18] =	ssyncadd.s32 $0xFFFFC000  }
0xd7: {  	_ =	swait.ge [sflag:s20], $0x4000  }
0xd8: {  	[sflag:s20] =	ssyncset.done $0x0  }
.Ltmp1:
0xd9: {  	[sflag:s20] =	ssyncadd.s32 $0xFFFFC000;
	(pc) =	sbr.rel @p0 .LBB2_1-.Ltmp1, $4  }
0xda: {  	[bflag:$0x0] =	sbarrier.arrive $0xFFFF  }
0xdb: {  	[hbm:s26], [sflag:s5] =	dma.local [spmem:s7], $0x400  }
0xdc: {  	_ =	swait.ge [sflag:s6], $0x400  }
0xdd: {  	[sflag:s6] =	ssyncset.done $0x0  }
.LBB2_2:
0xde: {  	[sflag:s6] =	ssyncadd.s32 $0xFFFFFC00  }
0xdf: {  	_ =	sfence.sel $0x180000  }
0xe0: {  	[bflag:$0x0] =	sbarrier.arrive $0xFFFF  }
0xe1: {  	p0 =	sne.s32 s1, $0x0;
	_ =	strace $0x9000004A  }
0xe2: {  	s0 =	sadd.s32 @!p0 $0x100000, s0;
	[bflag:$0x2] =	sbarrier.arrive $0xFFFF  }
0xe3: {  	[sflag:s0] =	ssyncadd.tile.s32 @!p0 $0x1;
	_ =	shalt  }
.Lfunc_end2:
_tile_overlayer_lowered:
.L_overlay_start_2:
0xe4: {  	(tag) =	ssettag $0x2  }
0xe5: {  	s0 =	rddreg [dreg:$0x0];
	s2 =	stileid.u32  }
0xe6: {  	s1 =	rddreg [dreg:$0x1];
	p0 =	sne.s32 s2, $0x0  }
0xe7: {  	s3 =	rddreg [dreg:$0x2];
	[bflag:$0x3] =	sbarrier.arrive $0xFFFF;
	s2 =	simm.s32 @!p0 $0x1C05  }
0xe8: {  	[timem:s3], [sflag:s2] =	dma.local @!p0 [hbm:s0], s1  }
0xe9: {  	s0 =	simm.s32 @!p0 $0x5  }
0xea: {  	_ =	swait.ge @!p0 [sflag:s0], s1  }
0xeb: {  	s1 =	ssub.s32 @!p0 $0x0, s1;
	[sflag:s0] =	ssyncset.done @!p0 $0x0  }
0xec: {  	[sflag:s0] =	ssyncadd.s32 @!p0 s1  }
0xed: {  	[bflag:$0x3] =	sbarrier.arrive $0xFFFF  }
0xee: {  	_ =	shalt  }

</sc_bundles>
